<compile_context>
chip_gen: v7x
topology: tpu7x:2x2x1
jax: 0.10.2.dev20260603
libtpu: 0.0.44.dev20260713+nightly
codegen_flags: <defaults>
</compile_context>

<pallas_src>
import functools

import jax
import jax.numpy as jnp
from jax.experimental import pallas as pl
from jax.experimental.pallas import tpu as pltpu
from jax.experimental.pallas import tpu_sc as plsc

_B, _T, _D, _F, _NBINS, _MAX_MEL = 16, 512, 256, 256, 256, 1024
_TP = _T + 8
_ZROW = _T
_HI = jax.lax.Precision.HIGHEST


def _shift_dn(a):
    z = jnp.zeros((1, a.shape[1]), a.dtype)
    return jnp.concatenate([z, a[:-1, :]], axis=0)


def _shift_up(a):
    z = jnp.zeros((1, a.shape[1]), a.dtype)
    return jnp.concatenate([a[1:, :], z], axis=0)


def _ln(h, g, be):
    mu = jnp.mean(h, axis=1, keepdims=True)
    d = h - mu
    var = jnp.mean(d * d, axis=1, keepdims=True)
    return d / jnp.sqrt(var + 1e-5) * g + be


def _adaptor_body(xr, mr, w1r, w2r, wlr, vpr, scr, per, eer,
                  x2_o, fidx_o, pit_o, ene_o, logd_o, durf_o, mlen_o, mmask_o):
    x = xr[0]
    maskc = mr[0]
    keep = 1.0 - maskc
    pc = scr[0, 0]
    ec = scr[0, 1]
    dc = scr[0, 2]

    def vp(inp, k):
        w1 = w1r[k]
        w2 = w2r[k]
        wl = wlr[k]
        b1 = vpr[k, 0:1, :]
        g1 = vpr[k, 1:2, :]
        be1 = vpr[k, 2:3, :]
        b2 = vpr[k, 3:4, :]
        g2 = vpr[k, 4:5, :]
        be2 = vpr[k, 5:6, :]
        bl = scr[0, 3 + k]
        bf = jnp.bfloat16

        def conv(a, w):
            ab = a.astype(bf)
            wb = w.astype(bf)
            d0 = jnp.dot(_shift_dn(ab), wb[0:_D],
                         preferred_element_type=jnp.float32)
            d1 = jnp.dot(ab, wb[_D:2 * _D],
                         preferred_element_type=jnp.float32)
            d2 = jnp.dot(_shift_up(ab), wb[2 * _D:3 * _D],
                         preferred_element_type=jnp.float32)
            return d0 + d1 + d2

        h = jnp.maximum(conv(inp, w1) + b1, 0.0)
        h = _ln(h, g1, be1)
        h = jnp.maximum(conv(h, w2) + b2, 0.0)
        h = _ln(h, g2, be2)
        out = jnp.dot(h.astype(bf), wl.astype(bf),
                      preferred_element_type=jnp.float32) + bl
        return out * keep

    lane = jax.lax.broadcasted_iota(jnp.int32, (_T, _NBINS), 1).astype(jnp.float32)
    step = 8.0 / (_NBINS - 2)
    bins = lane * step - 4.0
    bins = jnp.where(lane > jnp.float32(_NBINS - 2) - 0.5, jnp.float32(1e30), bins)

    log_d = vp(x, 0)
    pitch = vp(x, 1) * pc
    pidx = jnp.sum((bins < pitch).astype(jnp.float32), axis=1, keepdims=True)
    bf = jnp.bfloat16
    oh_p = (lane == pidx).astype(jnp.float32)
    x1 = x + jnp.dot(oh_p, per[...], precision=_HI,
                     preferred_element_type=jnp.float32)
    energy = vp(x1, 2) * ec
    eidx = jnp.sum((bins < energy).astype(jnp.float32), axis=1, keepdims=True)
    oh_e = (lane == eidx).astype(jnp.float32)
    x2 = x1 + jnp.dot(oh_e, eer[...], precision=_HI,
                      preferred_element_type=jnp.float32)

    dur = jnp.maximum(jnp.round(jnp.exp(log_d) - 1.0) * dc, 0.0)
    dur = jnp.floor(dur * keep)

    ti = jax.lax.broadcasted_iota(jnp.int32, (_T, _T), 0)
    tj = jax.lax.broadcasted_iota(jnp.int32, (_T, _T), 1)
    ltri = (tj <= ti).astype(bf)
    hi = jnp.floor(dur * (1.0 / 256.0))
    lo = dur - hi * 256.0
    cum = (jnp.dot(ltri, hi.astype(bf),
                   preferred_element_type=jnp.float32) * 256.0
           + jnp.dot(ltri, lo.astype(bf),
                     preferred_element_type=jnp.float32))
    mel_len = jnp.minimum(jnp.max(cum), jnp.float32(_MAX_MEL))

    pos = jax.lax.broadcasted_iota(jnp.int32, (1, _MAX_MEL), 1).astype(jnp.float32)
    nle = jnp.sum((cum <= pos).astype(jnp.float32), axis=0, keepdims=True)
    sel = jnp.minimum(nle, jnp.float32(_T - 1))
    b = pl.program_id(0)
    fidx = jnp.where(pos < mel_len,
                     sel.astype(jnp.int32) + b * _TP,
                     jnp.int32(_ZROW))
    fidx_o[0] = fidx
    x2_o[0] = jnp.concatenate(
        [x2, jnp.zeros((_TP - _T, _D), jnp.float32)], axis=0)
    pit_o[0] = pitch
    ene_o[0] = energy
    logd_o[0] = log_d
    durf_o[0] = dur
    mlen_o[0] = jnp.broadcast_to(mel_len.astype(jnp.int32), (1, 1))
    mmask_o[0] = (pos >= mel_len).astype(jnp.int32)


_CHUNK = 64
_DEPTH = 4


@functools.cache
def _sc_gather(nrows):
    info = plsc.get_sparse_core_info()
    nc, ns = info.num_cores, info.num_subcores
    nw = nc * ns
    rows_pw = nrows // nw
    nch = rows_pw // _CHUNK
    f32, i32 = jnp.float32, jnp.int32

    @functools.partial(
        pl.kernel,
        mesh=plsc.VectorSubcoreMesh(core_axis_name="c", subcore_axis_name="s"),
        out_type=jax.ShapeDtypeStruct((nrows, _D), f32),
        scratch_types=[
            pltpu.VMEM((nch, _CHUNK), i32),
            pltpu.VMEM((_DEPTH, _CHUNK, _D), f32),
        ] + [pltpu.SemaphoreType.DMA] * _DEPTH,
    )
    def gather(table_hbm, idx_hbm, out_hbm, idx_v, rows_v, *sems):
        wid = jax.lax.axis_index("s") * nc + jax.lax.axis_index("c")
        base = wid * rows_pw
        pltpu.sync_copy(idx_hbm.at[wid], idx_v)
        cps = [None] * nch
        for c in range(_DEPTH - 1):
            cps[c] = pltpu.async_copy(
                table_hbm.at[idx_v.at[c]], rows_v.at[c % _DEPTH],
                sems[c % _DEPTH])
        for c in range(nch):
            cc = c + _DEPTH - 1
            if cc < nch:
                cps[cc] = pltpu.async_copy(
                    table_hbm.at[idx_v.at[cc]], rows_v.at[cc % _DEPTH],
                    sems[cc % _DEPTH])
            cps[c].wait()
            pltpu.sync_copy(rows_v.at[c % _DEPTH],
                            out_hbm.at[pl.ds(base + c * _CHUNK, _CHUNK)])

    return gather, nw, nch


def _run(x, maskf, w1s, w2s, wls, vps, scal, pemb, eemb):
    f32 = jnp.float32
    xb = x.shape[0]
    outs = pl.pallas_call(
        _adaptor_body,
        grid=(xb,),
        in_specs=[
            pl.BlockSpec((1, _T, _D), lambda b: (b, 0, 0)),
            pl.BlockSpec((1, _T, 1), lambda b: (b, 0, 0)),
            pl.BlockSpec((3, 3 * _D, _F), lambda b: (0, 0, 0)),
            pl.BlockSpec((3, 3 * _F, _F), lambda b: (0, 0, 0)),
            pl.BlockSpec((3, _F, 1), lambda b: (0, 0, 0)),
            pl.BlockSpec((3, 6, _F), lambda b: (0, 0, 0)),
            pl.BlockSpec((1, 128), lambda b: (0, 0)),
            pl.BlockSpec((_NBINS, _D), lambda b: (0, 0)),
            pl.BlockSpec((_NBINS, _D), lambda b: (0, 0)),
        ],
        out_specs=[
            pl.BlockSpec((1, _TP, _D), lambda b: (b, 0, 0)),
            pl.BlockSpec((1, 1, _MAX_MEL), lambda b: (b, 0, 0)),
            pl.BlockSpec((1, _T, 1), lambda b: (b, 0, 0)),
            pl.BlockSpec((1, _T, 1), lambda b: (b, 0, 0)),
            pl.BlockSpec((1, _T, 1), lambda b: (b, 0, 0)),
            pl.BlockSpec((1, _T, 1), lambda b: (b, 0, 0)),
            pl.BlockSpec((1, 1, 1), lambda b: (b, 0, 0)),
            pl.BlockSpec((1, 1, _MAX_MEL), lambda b: (b, 0, 0)),
        ],
        out_shape=[
            jax.ShapeDtypeStruct((xb, _TP, _D), f32),
            jax.ShapeDtypeStruct((xb, 1, _MAX_MEL), jnp.int32),
            jax.ShapeDtypeStruct((xb, _T, 1), f32),
            jax.ShapeDtypeStruct((xb, _T, 1), f32),
            jax.ShapeDtypeStruct((xb, _T, 1), f32),
            jax.ShapeDtypeStruct((xb, _T, 1), f32),
            jax.ShapeDtypeStruct((xb, 1, 1), jnp.int32),
            jax.ShapeDtypeStruct((xb, 1, _MAX_MEL), jnp.int32),
        ],
        compiler_params=pltpu.CompilerParams(
            dimension_semantics=("parallel",)),
    )(x, maskf, w1s, w2s, wls, vps, scal, pemb, eemb)
    return outs


def kernel(x, src_mask, pitch_control, energy_control, duration_control, params):
    f32 = jnp.float32
    maskf = src_mask.astype(f32).reshape(_B, _T, 1)
    names = ("dur", "pitch", "energy")
    w1s = jnp.stack([params[n]["w1"].reshape(3 * _D, _F) for n in names])
    w2s = jnp.stack([params[n]["w2"].reshape(3 * _F, _F) for n in names])
    wls = jnp.stack([params[n]["wl"] for n in names])
    vps = jnp.stack([jnp.stack([params[n][k] for k in
                                ("b1", "g1", "be1", "b2", "g2", "be2")])
                     for n in names])
    scal = jnp.concatenate([
        jnp.stack([jnp.asarray(pitch_control, f32),
                   jnp.asarray(energy_control, f32),
                   jnp.asarray(duration_control, f32),
                   params["dur"]["bl"][0].astype(f32),
                   params["pitch"]["bl"][0].astype(f32),
                   params["energy"]["bl"][0].astype(f32)]),
        jnp.zeros((122,), f32)]).reshape(1, 128)
    hb = _B // 2
    gather, nw, nch = _sc_gather(hb * _MAX_MEL)
    halves = []
    for h in range(2):
        sl = slice(h * hb, (h + 1) * hb)
        x2p, fidx, pit, ene, logd, durf, mlen, mmask = _run(
            x[sl], maskf[sl], w1s, w2s, wls, vps, scal,
            params["pitch_emb"], params["energy_emb"])
        table = x2p.reshape(hb * _TP, _D)
        idx3 = fidx.reshape(nw, nch, _CHUNK)
        expd = gather(table, idx3).reshape(hb, _MAX_MEL, _D)
        halves.append((expd, pit, ene, logd, durf, mlen, mmask))
    expd, pit, ene, logd, durf, mlen, mmask = (
        jnp.concatenate([a, b], axis=0) for a, b in zip(*halves))
    return (expd,
            pit.reshape(_B, _T),
            ene.reshape(_B, _T),
            logd.reshape(_B, _T),
            durf.reshape(_B, _T),
            mlen.reshape(_B),
            mmask.reshape(_B, _MAX_MEL).astype(bool))

# --- scband reference (transcript-rebuilt; emitter-appended) ---
"""Pipeline reference for scband-variance-adaptor-8323646620046 (READ-ONLY COPY).

The authoritative reference and input builder live on the scoring server;
editing this copy changes nothing except your own understanding.
"""

import jax, jax.numpy as jnp
import numpy as np

B, T, D, F, K, NBINS, MAX_MEL = 16, 512, 256, 256, 3, 256, 1024
PITCH_BINS = jnp.linspace(-4.0, 4.0, NBINS - 1)
ENERGY_BINS = jnp.linspace(-4.0, 4.0, NBINS - 1)


def _pred_params(key, scale, lin_bias=0.0):
    ks = jax.random.split(key, 3)
    return {"w1": (jax.random.normal(ks[0], (K, D, F)) * scale).astype(jnp.float32),
            "b1": jnp.zeros((F,), jnp.float32),
            "g1": jnp.ones((F,), jnp.float32),
            "be1": jnp.zeros((F,), jnp.float32),
            "w2": (jax.random.normal(ks[1], (K, F, F)) * scale).astype(jnp.float32),
            "b2": jnp.zeros((F,), jnp.float32),
            "g2": jnp.ones((F,), jnp.float32),
            "be2": jnp.zeros((F,), jnp.float32),
            "wl": (jax.random.normal(ks[2], (F, 1)) * scale).astype(jnp.float32),
            "bl": jnp.full((1,), lin_bias, jnp.float32)}


def setup_inputs(seed: int = 0):
    key = jax.random.key(seed)
    ks = jax.random.split(key, 6)
    x = jax.random.normal(ks[0], (B, T, D), dtype=jnp.float32)
    src_mask = jnp.zeros((B, T), dtype=bool)
    params = {"dur": _pred_params(ks[1], 0.02, 1.0),
              "pitch": _pred_params(ks[2], 0.02, 0.0),
              "energy": _pred_params(ks[3], 0.02, 0.0),
              "pitch_emb": (jax.random.normal(ks[4], (NBINS, D)) * 0.02).astype(jnp.float32),
              "energy_emb": (jax.random.normal(ks[5], (NBINS, D)) * 0.02).astype(jnp.float32)}
    return {"x": x, "src_mask": src_mask, "pitch_control": 1.0,
            "energy_control": 1.0, "duration_control": 1.0, "params": params}


def _conv1d(h, w, b):
    return jax.lax.conv_general_dilated(h, w, (1,), "SAME",
                                        dimension_numbers=("NWC", "WIO", "NWC")) + b


def _ln(h, g, b):
    mu = jnp.mean(h, axis=-1, keepdims=True)
    var = jnp.var(h, axis=-1, keepdims=True)
    return (h - mu) / jnp.sqrt(var + 1e-5) * g + b


def _variance_predictor(x, mask, p):
    h = jax.nn.relu(_conv1d(x, p["w1"], p["b1"]))
    h = _ln(h, p["g1"], p["be1"])
    h = jax.nn.relu(_conv1d(h, p["w2"], p["b2"]))
    h = _ln(h, p["g2"], p["be2"])
    out = (h @ p["wl"] + p["bl"])[..., 0]
    return jnp.where(mask, 0.0, out)


def reference(x, src_mask, pitch_control, energy_control, duration_control, params):
    log_d = _variance_predictor(x, src_mask, params["dur"])
    pitch_pred = _variance_predictor(x, src_mask, params["pitch"]) * pitch_control
    pitch_idx = jnp.searchsorted(PITCH_BINS, pitch_pred, side="left")
    x = x + jnp.take(params["pitch_emb"], pitch_idx, axis=0)
    energy_pred = _variance_predictor(x, src_mask, params["energy"]) * energy_control
    energy_idx = jnp.searchsorted(ENERGY_BINS, energy_pred, side="left")
    x = x + jnp.take(params["energy_emb"], energy_idx, axis=0)
    dur = jnp.clip(jnp.round(jnp.exp(log_d) - 1.0) * duration_control, 0, None)
    dur = jnp.where(src_mask, 0.0, dur).astype(jnp.int32)
    cum = jnp.cumsum(dur, axis=1)
    mel_len = jnp.minimum(cum[:, -1], MAX_MEL)
    pos = jnp.arange(MAX_MEL)
    idx = jax.vmap(lambda c: jnp.searchsorted(c, pos, side="right"))(cum)
    idx = jnp.clip(idx, 0, T - 1)
    expanded = jnp.take_along_axis(x, idx[:, :, None], axis=1)
    mel_mask = pos[None, :] >= mel_len[:, None]
    expanded = jnp.where(mel_mask[:, :, None], 0.0, expanded)
    return (expanded, pitch_pred, energy_pred, log_d, dur.astype(jnp.float32), mel_len, mel_mask)

if __name__ == "__main__":
    import jax
    _d = setup_inputs()
    print(jax.jit(kernel)(*tuple(_d.values())))

</pallas_src>

<mosaic_0001>
#map = affine_map<(d0, d1) -> (0, 0)>
#map1 = affine_map<(d0, d1) -> (0, 0, 0)>
module attributes {stable_mosaic.version = 14 : i64} {
  func.func @gather(%arg0: i32, %arg1: i32, %arg2: memref<4160x256xf32, #tpu.memory_space<hbm>>, %arg3: memref<32x4x64xi32, #tpu.memory_space<hbm>>, %arg4: memref<8192x256xf32, #tpu.memory_space<hbm>>, %arg5: memref<4x64xi32, #tpu.memory_space<vmem>>, %arg6: memref<4x64x256xf32, #tpu.memory_space<vmem>>, %arg7: memref<!tpu.dma_semaphore, #tpu.memory_space<semaphore_mem>>, %arg8: memref<!tpu.dma_semaphore, #tpu.memory_space<semaphore_mem>>, %arg9: memref<!tpu.dma_semaphore, #tpu.memory_space<semaphore_mem>>, %arg10: memref<!tpu.dma_semaphore, #tpu.memory_space<semaphore_mem>>) attributes {dimension_semantics = [#tpu.dimension_semantics<core_parallel>, #tpu.dimension_semantics<subcore_parallel>], iteration_bounds = array<i64: 2, 16>, scalar_prefetch = 0 : i64, scratch_operands = 6 : i64, tpu.core_type = #tpu.core_type<sc_vector_subcore>, window_params = [{transform_indices = #map}, {transform_indices = #map1}, {transform_indices = #map}]} {
    %mul3A = arith.constant 2 : i32
    %mul3A_0 = arith.muli %arg1, %mul3A : i32
    %add3A = arith.addi %mul3A_0, %arg0 : i32
    %mul3A_1 = arith.constant 256 : i32
    %mul3A_2 = arith.muli %add3A, %mul3A_1 : i32
    "tpu.region"() ({
      %run_scoped3A_108 = tpu.sem_alloc : memref<!tpu.dma_semaphore, #tpu.memory_space<semaphore_mem>>
      %dma_start3A_109 = arith.constant 0 : i32
      %dma_start3A_110 = arith.constant 0 : i32
      %dma_start3A_111 = tpu.memref_slice %arg3[%add3A, %dma_start3A_109, %dma_start3A_110] : memref<32x4x64xi32, #tpu.memory_space<hbm>> -> memref<1x4x64xi32, #tpu.memory_space<hbm>>
      %dma_start3A_112 = tpu.memref_squeeze %dma_start3A_111 : memref<1x4x64xi32, #tpu.memory_space<hbm>> -> memref<4x64xi32, #tpu.memory_space<hbm>>
      %dma_start3A_113 = arith.constant 0 : i32
      %dma_start3A_114 = arith.constant 0 : i32
      %dma_start3A_115 = tpu.memref_slice %arg3[%add3A, %dma_start3A_113, %dma_start3A_114] : memref<32x4x64xi32, #tpu.memory_space<hbm>> -> memref<1x4x64xi32, #tpu.memory_space<hbm>>
      %dma_start3A_116 = tpu.memref_squeeze %dma_start3A_115 : memref<1x4x64xi32, #tpu.memory_space<hbm>> -> memref<4x64xi32, #tpu.memory_space<hbm>>
      tpu.enqueue_dma source(%dma_start3A_116 : memref<4x64xi32, #tpu.memory_space<hbm>>) target(%arg5 : memref<4x64xi32, #tpu.memory_space<vmem>>) target_semaphore(%run_scoped3A_108 : memref<!tpu.dma_semaphore, #tpu.memory_space<semaphore_mem>>)
      %dma_wait3A_117 = arith.constant 0 : i32
      %dma_wait3A_118 = arith.constant 0 : i32
      %dma_wait3A_119 = tpu.memref_slice %arg3[%add3A, %dma_wait3A_117, %dma_wait3A_118] : memref<32x4x64xi32, #tpu.memory_space<hbm>> -> memref<1x4x64xi32, #tpu.memory_space<hbm>>
      %dma_wait3A_120 = tpu.memref_squeeze %dma_wait3A_119 : memref<1x4x64xi32, #tpu.memory_space<hbm>> -> memref<4x64xi32, #tpu.memory_space<hbm>>
      %dma_wait3A_121 = arith.constant 0 : i32
      %dma_wait3A_122 = arith.constant 0 : i32
      %dma_wait3A_123 = tpu.memref_slice %arg3[%add3A, %dma_wait3A_121, %dma_wait3A_122] : memref<32x4x64xi32, #tpu.memory_space<hbm>> -> memref<1x4x64xi32, #tpu.memory_space<hbm>>
      %dma_wait3A_124 = tpu.memref_squeeze %dma_wait3A_123 : memref<1x4x64xi32, #tpu.memory_space<hbm>> -> memref<4x64xi32, #tpu.memory_space<hbm>>
      tpu.wait_dma2 semaphore(%run_scoped3A_108 : memref<!tpu.dma_semaphore, #tpu.memory_space<semaphore_mem>>) src(%dma_wait3A_124 : memref<4x64xi32, #tpu.memory_space<hbm>>) dst(%arg5 : memref<4x64xi32, #tpu.memory_space<vmem>>)
      tpu.yield
    }) : () -> ()
    %dma_start3A = arith.constant 0 : i32
    %dma_start3A_3 = arith.constant 0 : i32
    %dma_start3A_4 = arith.constant 0 : i32
    %dma_start3A_5 = arith.constant 0 : i32
    %dma_start3A_6 = tpu.memref_slice %arg6[%dma_start3A_3, %dma_start3A_4, %dma_start3A_5] : memref<4x64x256xf32, #tpu.memory_space<vmem>> -> memref<1x64x256xf32, #tpu.memory_space<vmem>>
    %dma_start3A_7 = tpu.memref_squeeze %dma_start3A_6 : memref<1x64x256xf32, #tpu.memory_space<vmem>> -> memref<64x256xf32, #tpu.memory_space<vmem>>
    %dma_start3A_8 = arith.constant 0 : i32
    %dma_start3A_9 = tpu.memref_slice %arg5[%dma_start3A, %dma_start3A_8] : memref<4x64xi32, #tpu.memory_space<vmem>> -> memref<1x64xi32, #tpu.memory_space<vmem>>
    %dma_start3A_10 = tpu.memref_squeeze %dma_start3A_9 : memref<1x64xi32, #tpu.memory_space<vmem>> -> memref<64xi32, #tpu.memory_space<vmem>>
    %dma_start3A_11 = arith.constant 0 : i32
    %dma_start3A_12 = arith.constant 0 : i32
    %dma_start3A_13 = tpu.memref_slice %arg2[%dma_start3A_11, %dma_start3A_12] : memref<4160x256xf32, #tpu.memory_space<hbm>> -> memref<4160x256xf32, #tpu.memory_space<hbm>>
    tpu.enqueue_indirect_dma source(%dma_start3A_13 : memref<4160x256xf32, #tpu.memory_space<hbm>>) target(%dma_start3A_7 : memref<64x256xf32, #tpu.memory_space<vmem>>) offsets(%dma_start3A_10 : memref<64xi32, #tpu.memory_space<vmem>>) semaphore(%arg7 : memref<!tpu.dma_semaphore, #tpu.memory_space<semaphore_mem>>)
    %dma_start3A_14 = arith.constant 1 : i32
    %dma_start3A_15 = arith.constant 1 : i32
    %dma_start3A_16 = arith.constant 0 : i32
    %dma_start3A_17 = arith.constant 0 : i32
    %dma_start3A_18 = tpu.memref_slice %arg6[%dma_start3A_15, %dma_start3A_16, %dma_start3A_17] : memref<4x64x256xf32, #tpu.memory_space<vmem>> -> memref<1x64x256xf32, #tpu.memory_space<vmem>>
    %dma_start3A_19 = tpu.memref_squeeze %dma_start3A_18 : memref<1x64x256xf32, #tpu.memory_space<vmem>> -> memref<64x256xf32, #tpu.memory_space<vmem>>
    %dma_start3A_20 = arith.constant 0 : i32
    %dma_start3A_21 = tpu.memref_slice %arg5[%dma_start3A_14, %dma_start3A_20] : memref<4x64xi32, #tpu.memory_space<vmem>> -> memref<1x64xi32, #tpu.memory_space<vmem>>
    %dma_start3A_22 = tpu.memref_squeeze %dma_start3A_21 : memref<1x64xi32, #tpu.memory_space<vmem>> -> memref<64xi32, #tpu.memory_space<vmem>>
    %dma_start3A_23 = arith.constant 0 : i32
    %dma_start3A_24 = arith.constant 0 : i32
    %dma_start3A_25 = tpu.memref_slice %arg2[%dma_start3A_23, %dma_start3A_24] : memref<4160x256xf32, #tpu.memory_space<hbm>> -> memref<4160x256xf32, #tpu.memory_space<hbm>>
    tpu.enqueue_indirect_dma source(%dma_start3A_25 : memref<4160x256xf32, #tpu.memory_space<hbm>>) target(%dma_start3A_19 : memref<64x256xf32, #tpu.memory_space<vmem>>) offsets(%dma_start3A_22 : memref<64xi32, #tpu.memory_space<vmem>>) semaphore(%arg8 : memref<!tpu.dma_semaphore, #tpu.memory_space<semaphore_mem>>)
    %dma_start3A_26 = arith.constant 2 : i32
    %dma_start3A_27 = arith.constant 2 : i32
    %dma_start3A_28 = arith.constant 0 : i32
    %dma_start3A_29 = arith.constant 0 : i32
    %dma_start3A_30 = tpu.memref_slice %arg6[%dma_start3A_27, %dma_start3A_28, %dma_start3A_29] : memref<4x64x256xf32, #tpu.memory_space<vmem>> -> memref<1x64x256xf32, #tpu.memory_space<vmem>>
    %dma_start3A_31 = tpu.memref_squeeze %dma_start3A_30 : memref<1x64x256xf32, #tpu.memory_space<vmem>> -> memref<64x256xf32, #tpu.memory_space<vmem>>
    %dma_start3A_32 = arith.constant 0 : i32
    %dma_start3A_33 = tpu.memref_slice %arg5[%dma_start3A_26, %dma_start3A_32] : memref<4x64xi32, #tpu.memory_space<vmem>> -> memref<1x64xi32, #tpu.memory_space<vmem>>
    %dma_start3A_34 = tpu.memref_squeeze %dma_start3A_33 : memref<1x64xi32, #tpu.memory_space<vmem>> -> memref<64xi32, #tpu.memory_space<vmem>>
    %dma_start3A_35 = arith.constant 0 : i32
    %dma_start3A_36 = arith.constant 0 : i32
    %dma_start3A_37 = tpu.memref_slice %arg2[%dma_start3A_35, %dma_start3A_36] : memref<4160x256xf32, #tpu.memory_space<hbm>> -> memref<4160x256xf32, #tpu.memory_space<hbm>>
    tpu.enqueue_indirect_dma source(%dma_start3A_37 : memref<4160x256xf32, #tpu.memory_space<hbm>>) target(%dma_start3A_31 : memref<64x256xf32, #tpu.memory_space<vmem>>) offsets(%dma_start3A_34 : memref<64xi32, #tpu.memory_space<vmem>>) semaphore(%arg9 : memref<!tpu.dma_semaphore, #tpu.memory_space<semaphore_mem>>)
    %dma_start3A_38 = arith.constant 3 : i32
    %dma_start3A_39 = arith.constant 3 : i32
    %dma_start3A_40 = arith.constant 0 : i32
    %dma_start3A_41 = arith.constant 0 : i32
    %dma_start3A_42 = tpu.memref_slice %arg6[%dma_start3A_39, %dma_start3A_40, %dma_start3A_41] : memref<4x64x256xf32, #tpu.memory_space<vmem>> -> memref<1x64x256xf32, #tpu.memory_space<vmem>>
    %dma_start3A_43 = tpu.memref_squeeze %dma_start3A_42 : memref<1x64x256xf32, #tpu.memory_space<vmem>> -> memref<64x256xf32, #tpu.memory_space<vmem>>
    %dma_start3A_44 = arith.constant 0 : i32
    %dma_start3A_45 = tpu.memref_slice %arg5[%dma_start3A_38, %dma_start3A_44] : memref<4x64xi32, #tpu.memory_space<vmem>> -> memref<1x64xi32, #tpu.memory_space<vmem>>
    %dma_start3A_46 = tpu.memref_squeeze %dma_start3A_45 : memref<1x64xi32, #tpu.memory_space<vmem>> -> memref<64xi32, #tpu.memory_space<vmem>>
    %dma_start3A_47 = arith.constant 0 : i32
    %dma_start3A_48 = arith.constant 0 : i32
    %dma_start3A_49 = tpu.memref_slice %arg2[%dma_start3A_47, %dma_start3A_48] : memref<4160x256xf32, #tpu.memory_space<hbm>> -> memref<4160x256xf32, #tpu.memory_space<hbm>>
    tpu.enqueue_indirect_dma source(%dma_start3A_49 : memref<4160x256xf32, #tpu.memory_space<hbm>>) target(%dma_start3A_43 : memref<64x256xf32, #tpu.memory_space<vmem>>) offsets(%dma_start3A_46 : memref<64xi32, #tpu.memory_space<vmem>>) semaphore(%arg10 : memref<!tpu.dma_semaphore, #tpu.memory_space<semaphore_mem>>)
    %dma_wait3A = arith.constant 0 : i32
    %dma_wait3A_50 = arith.constant 0 : i32
    %dma_wait3A_51 = arith.constant 0 : i32
    %dma_wait3A_52 = arith.constant 0 : i32
    %dma_wait3A_53 = tpu.memref_slice %arg6[%dma_wait3A_50, %dma_wait3A_51, %dma_wait3A_52] : memref<4x64x256xf32, #tpu.memory_space<vmem>> -> memref<1x64x256xf32, #tpu.memory_space<vmem>>
    %dma_wait3A_54 = tpu.memref_squeeze %dma_wait3A_53 : memref<1x64x256xf32, #tpu.memory_space<vmem>> -> memref<64x256xf32, #tpu.memory_space<vmem>>
    %dma_wait3A_55 = arith.constant 0 : i32
    %dma_wait3A_56 = tpu.memref_slice %arg5[%dma_wait3A, %dma_wait3A_55] : memref<4x64xi32, #tpu.memory_space<vmem>> -> memref<1x64xi32, #tpu.memory_space<vmem>>
    %dma_wait3A_57 = tpu.memref_squeeze %dma_wait3A_56 : memref<1x64xi32, #tpu.memory_space<vmem>> -> memref<64xi32, #tpu.memory_space<vmem>>
    %dma_wait3A_58 = arith.constant 0 : i32
    %dma_wait3A_59 = arith.constant 0 : i32
    %dma_wait3A_60 = tpu.memref_slice %arg2[%dma_wait3A_58, %dma_wait3A_59] : memref<4160x256xf32, #tpu.memory_space<hbm>> -> memref<4160x256xf32, #tpu.memory_space<hbm>>
    tpu.wait_indirect_dma semaphore(%arg7 : memref<!tpu.dma_semaphore, #tpu.memory_space<semaphore_mem>>) src(%dma_wait3A_60 : memref<4160x256xf32, #tpu.memory_space<hbm>>) dst(%dma_wait3A_54 : memref<64x256xf32, #tpu.memory_space<vmem>>)
    %add3A_61 = arith.constant 0 : i32
    %add3A_62 = arith.addi %mul3A_2, %add3A_61 : i32
    %run_scoped3A = arith.constant 0 : i32
    "tpu.region"() ({
      %run_scoped3A_108 = tpu.sem_alloc : memref<!tpu.dma_semaphore, #tpu.memory_space<semaphore_mem>>
      %dma_start3A_109 = arith.constant 0 : i32
      %dma_start3A_110 = arith.constant 0 : i32
      %dma_start3A_111 = tpu.memref_slice %arg6[%run_scoped3A, %dma_start3A_109, %dma_start3A_110] : memref<4x64x256xf32, #tpu.memory_space<vmem>> -> memref<1x64x256xf32, #tpu.memory_space<vmem>>
      %dma_start3A_112 = tpu.memref_squeeze %dma_start3A_111 : memref<1x64x256xf32, #tpu.memory_space<vmem>> -> memref<64x256xf32, #tpu.memory_space<vmem>>
      %dma_start3A_113 = arith.constant 0 : i32
      %dma_start3A_114 = tpu.memref_slice %arg4[%add3A_62, %dma_start3A_113] : memref<8192x256xf32, #tpu.memory_space<hbm>> -> memref<64x256xf32, #tpu.memory_space<hbm>>
      %dma_start3A_115 = arith.constant 0 : i32
      %dma_start3A_116 = tpu.memref_slice %arg4[%add3A_62, %dma_start3A_115] : memref<8192x256xf32, #tpu.memory_space<hbm>> -> memref<64x256xf32, #tpu.memory_space<hbm>>
      %dma_start3A_117 = arith.constant 0 : i32
      %dma_start3A_118 = arith.constant 0 : i32
      %dma_start3A_119 = tpu.memref_slice %arg6[%run_scoped3A, %dma_start3A_117, %dma_start3A_118] : memref<4x64x256xf32, #tpu.memory_space<vmem>> -> memref<1x64x256xf32, #tpu.memory_space<vmem>>
      %dma_start3A_120 = tpu.memref_squeeze %dma_start3A_119 : memref<1x64x256xf32, #tpu.memory_space<vmem>> -> memref<64x256xf32, #tpu.memory_space<vmem>>
      tpu.enqueue_dma source(%dma_start3A_120 : memref<64x256xf32, #tpu.memory_space<vmem>>) target(%dma_start3A_116 : memref<64x256xf32, #tpu.memory_space<hbm>>) target_semaphore(%run_scoped3A_108 : memref<!tpu.dma_semaphore, #tpu.memory_space<semaphore_mem>>)
      %dma_wait3A_121 = arith.constant 0 : i32
      %dma_wait3A_122 = arith.constant 0 : i32
      %dma_wait3A_123 = tpu.memref_slice %arg6[%run_scoped3A, %dma_wait3A_121, %dma_wait3A_122] : memref<4x64x256xf32, #tpu.memory_space<vmem>> -> memref<1x64x256xf32, #tpu.memory_space<vmem>>
      %dma_wait3A_124 = tpu.memref_squeeze %dma_wait3A_123 : memref<1x64x256xf32, #tpu.memory_space<vmem>> -> memref<64x256xf32, #tpu.memory_space<vmem>>
      %dma_wait3A_125 = arith.constant 0 : i32
      %dma_wait3A_126 = tpu.memref_slice %arg4[%add3A_62, %dma_wait3A_125] : memref<8192x256xf32, #tpu.memory_space<hbm>> -> memref<64x256xf32, #tpu.memory_space<hbm>>
      %dma_wait3A_127 = arith.constant 0 : i32
      %dma_wait3A_128 = tpu.memref_slice %arg4[%add3A_62, %dma_wait3A_127] : memref<8192x256xf32, #tpu.memory_space<hbm>> -> memref<64x256xf32, #tpu.memory_space<hbm>>
      %dma_wait3A_129 = arith.constant 0 : i32
      %dma_wait3A_130 = arith.constant 0 : i32
      %dma_wait3A_131 = tpu.memref_slice %arg6[%run_scoped3A, %dma_wait3A_129, %dma_wait3A_130] : memref<4x64x256xf32, #tpu.memory_space<vmem>> -> memref<1x64x256xf32, #tpu.memory_space<vmem>>
      %dma_wait3A_132 = tpu.memref_squeeze %dma_wait3A_131 : memref<1x64x256xf32, #tpu.memory_space<vmem>> -> memref<64x256xf32, #tpu.memory_space<vmem>>
      tpu.wait_dma2 semaphore(%run_scoped3A_108 : memref<!tpu.dma_semaphore, #tpu.memory_space<semaphore_mem>>) src(%dma_wait3A_132 : memref<64x256xf32, #tpu.memory_space<vmem>>) dst(%dma_wait3A_128 : memref<64x256xf32, #tpu.memory_space<hbm>>)
      tpu.yield
    }) : () -> ()
    %dma_wait3A_63 = arith.constant 1 : i32
    %dma_wait3A_64 = arith.constant 1 : i32
    %dma_wait3A_65 = arith.constant 0 : i32
    %dma_wait3A_66 = arith.constant 0 : i32
    %dma_wait3A_67 = tpu.memref_slice %arg6[%dma_wait3A_64, %dma_wait3A_65, %dma_wait3A_66] : memref<4x64x256xf32, #tpu.memory_space<vmem>> -> memref<1x64x256xf32, #tpu.memory_space<vmem>>
    %dma_wait3A_68 = tpu.memref_squeeze %dma_wait3A_67 : memref<1x64x256xf32, #tpu.memory_space<vmem>> -> memref<64x256xf32, #tpu.memory_space<vmem>>
    %dma_wait3A_69 = arith.constant 0 : i32
    %dma_wait3A_70 = tpu.memref_slice %arg5[%dma_wait3A_63, %dma_wait3A_69] : memref<4x64xi32, #tpu.memory_space<vmem>> -> memref<1x64xi32, #tpu.memory_space<vmem>>
    %dma_wait3A_71 = tpu.memref_squeeze %dma_wait3A_70 : memref<1x64xi32, #tpu.memory_space<vmem>> -> memref<64xi32, #tpu.memory_space<vmem>>
    %dma_wait3A_72 = arith.constant 0 : i32
    %dma_wait3A_73 = arith.constant 0 : i32
    %dma_wait3A_74 = tpu.memref_slice %arg2[%dma_wait3A_72, %dma_wait3A_73] : memref<4160x256xf32, #tpu.memory_space<hbm>> -> memref<4160x256xf32, #tpu.memory_space<hbm>>
    tpu.wait_indirect_dma semaphore(%arg8 : memref<!tpu.dma_semaphore, #tpu.memory_space<semaphore_mem>>) src(%dma_wait3A_74 : memref<4160x256xf32, #tpu.memory_space<hbm>>) dst(%dma_wait3A_68 : memref<64x256xf32, #tpu.memory_space<vmem>>)
    %add3A_75 = arith.constant 64 : i32
    %add3A_76 = arith.addi %mul3A_2, %add3A_75 : i32
    %run_scoped3A_77 = arith.constant 1 : i32
    "tpu.region"() ({
      %run_scoped3A_108 = tpu.sem_alloc : memref<!tpu.dma_semaphore, #tpu.memory_space<semaphore_mem>>
      %dma_start3A_109 = arith.constant 0 : i32
      %dma_start3A_110 = arith.constant 0 : i32
      %dma_start3A_111 = tpu.memref_slice %arg6[%run_scoped3A_77, %dma_start3A_109, %dma_start3A_110] : memref<4x64x256xf32, #tpu.memory_space<vmem>> -> memref<1x64x256xf32, #tpu.memory_space<vmem>>
      %dma_start3A_112 = tpu.memref_squeeze %dma_start3A_111 : memref<1x64x256xf32, #tpu.memory_space<vmem>> -> memref<64x256xf32, #tpu.memory_space<vmem>>
      %dma_start3A_113 = arith.constant 0 : i32
      %dma_start3A_114 = tpu.memref_slice %arg4[%add3A_76, %dma_start3A_113] : memref<8192x256xf32, #tpu.memory_space<hbm>> -> memref<64x256xf32, #tpu.memory_space<hbm>>
      %dma_start3A_115 = arith.constant 0 : i32
      %dma_start3A_116 = tpu.memref_slice %arg4[%add3A_76, %dma_start3A_115] : memref<8192x256xf32, #tpu.memory_space<hbm>> -> memref<64x256xf32, #tpu.memory_space<hbm>>
      %dma_start3A_117 = arith.constant 0 : i32
      %dma_start3A_118 = arith.constant 0 : i32
      %dma_start3A_119 = tpu.memref_slice %arg6[%run_scoped3A_77, %dma_start3A_117, %dma_start3A_118] : memref<4x64x256xf32, #tpu.memory_space<vmem>> -> memref<1x64x256xf32, #tpu.memory_space<vmem>>
      %dma_start3A_120 = tpu.memref_squeeze %dma_start3A_119 : memref<1x64x256xf32, #tpu.memory_space<vmem>> -> memref<64x256xf32, #tpu.memory_space<vmem>>
      tpu.enqueue_dma source(%dma_start3A_120 : memref<64x256xf32, #tpu.memory_space<vmem>>) target(%dma_start3A_116 : memref<64x256xf32, #tpu.memory_space<hbm>>) target_semaphore(%run_scoped3A_108 : memref<!tpu.dma_semaphore, #tpu.memory_space<semaphore_mem>>)
      %dma_wait3A_121 = arith.constant 0 : i32
      %dma_wait3A_122 = arith.constant 0 : i32
      %dma_wait3A_123 = tpu.memref_slice %arg6[%run_scoped3A_77, %dma_wait3A_121, %dma_wait3A_122] : memref<4x64x256xf32, #tpu.memory_space<vmem>> -> memref<1x64x256xf32, #tpu.memory_space<vmem>>
      %dma_wait3A_124 = tpu.memref_squeeze %dma_wait3A_123 : memref<1x64x256xf32, #tpu.memory_space<vmem>> -> memref<64x256xf32, #tpu.memory_space<vmem>>
      %dma_wait3A_125 = arith.constant 0 : i32
      %dma_wait3A_126 = tpu.memref_slice %arg4[%add3A_76, %dma_wait3A_125] : memref<8192x256xf32, #tpu.memory_space<hbm>> -> memref<64x256xf32, #tpu.memory_space<hbm>>
      %dma_wait3A_127 = arith.constant 0 : i32
      %dma_wait3A_128 = tpu.memref_slice %arg4[%add3A_76, %dma_wait3A_127] : memref<8192x256xf32, #tpu.memory_space<hbm>> -> memref<64x256xf32, #tpu.memory_space<hbm>>
      %dma_wait3A_129 = arith.constant 0 : i32
      %dma_wait3A_130 = arith.constant 0 : i32
      %dma_wait3A_131 = tpu.memref_slice %arg6[%run_scoped3A_77, %dma_wait3A_129, %dma_wait3A_130] : memref<4x64x256xf32, #tpu.memory_space<vmem>> -> memref<1x64x256xf32, #tpu.memory_space<vmem>>
      %dma_wait3A_132 = tpu.memref_squeeze %dma_wait3A_131 : memref<1x64x256xf32, #tpu.memory_space<vmem>> -> memref<64x256xf32, #tpu.memory_space<vmem>>
      tpu.wait_dma2 semaphore(%run_scoped3A_108 : memref<!tpu.dma_semaphore, #tpu.memory_space<semaphore_mem>>) src(%dma_wait3A_132 : memref<64x256xf32, #tpu.memory_space<vmem>>) dst(%dma_wait3A_128 : memref<64x256xf32, #tpu.memory_space<hbm>>)
      tpu.yield
    }) : () -> ()
    %dma_wait3A_78 = arith.constant 2 : i32
    %dma_wait3A_79 = arith.constant 2 : i32
    %dma_wait3A_80 = arith.constant 0 : i32
    %dma_wait3A_81 = arith.constant 0 : i32
    %dma_wait3A_82 = tpu.memref_slice %arg6[%dma_wait3A_79, %dma_wait3A_80, %dma_wait3A_81] : memref<4x64x256xf32, #tpu.memory_space<vmem>> -> memref<1x64x256xf32, #tpu.memory_space<vmem>>
    %dma_wait3A_83 = tpu.memref_squeeze %dma_wait3A_82 : memref<1x64x256xf32, #tpu.memory_space<vmem>> -> memref<64x256xf32, #tpu.memory_space<vmem>>
    %dma_wait3A_84 = arith.constant 0 : i32
    %dma_wait3A_85 = tpu.memref_slice %arg5[%dma_wait3A_78, %dma_wait3A_84] : memref<4x64xi32, #tpu.memory_space<vmem>> -> memref<1x64xi32, #tpu.memory_space<vmem>>
    %dma_wait3A_86 = tpu.memref_squeeze %dma_wait3A_85 : memref<1x64xi32, #tpu.memory_space<vmem>> -> memref<64xi32, #tpu.memory_space<vmem>>
    %dma_wait3A_87 = arith.constant 0 : i32
    %dma_wait3A_88 = arith.constant 0 : i32
    %dma_wait3A_89 = tpu.memref_slice %arg2[%dma_wait3A_87, %dma_wait3A_88] : memref<4160x256xf32, #tpu.memory_space<hbm>> -> memref<4160x256xf32, #tpu.memory_space<hbm>>
    tpu.wait_indirect_dma semaphore(%arg9 : memref<!tpu.dma_semaphore, #tpu.memory_space<semaphore_mem>>) src(%dma_wait3A_89 : memref<4160x256xf32, #tpu.memory_space<hbm>>) dst(%dma_wait3A_83 : memref<64x256xf32, #tpu.memory_space<vmem>>)
    %add3A_90 = arith.constant 128 : i32
    %add3A_91 = arith.addi %mul3A_2, %add3A_90 : i32
    %run_scoped3A_92 = arith.constant 2 : i32
    "tpu.region"() ({
      %run_scoped3A_108 = tpu.sem_alloc : memref<!tpu.dma_semaphore, #tpu.memory_space<semaphore_mem>>
      %dma_start3A_109 = arith.constant 0 : i32
      %dma_start3A_110 = arith.constant 0 : i32
      %dma_start3A_111 = tpu.memref_slice %arg6[%run_scoped3A_92, %dma_start3A_109, %dma_start3A_110] : memref<4x64x256xf32, #tpu.memory_space<vmem>> -> memref<1x64x256xf32, #tpu.memory_space<vmem>>
      %dma_start3A_112 = tpu.memref_squeeze %dma_start3A_111 : memref<1x64x256xf32, #tpu.memory_space<vmem>> -> memref<64x256xf32, #tpu.memory_space<vmem>>
      %dma_start3A_113 = arith.constant 0 : i32
      %dma_start3A_114 = tpu.memref_slice %arg4[%add3A_91, %dma_start3A_113] : memref<8192x256xf32, #tpu.memory_space<hbm>> -> memref<64x256xf32, #tpu.memory_space<hbm>>
      %dma_start3A_115 = arith.constant 0 : i32
      %dma_start3A_116 = tpu.memref_slice %arg4[%add3A_91, %dma_start3A_115] : memref<8192x256xf32, #tpu.memory_space<hbm>> -> memref<64x256xf32, #tpu.memory_space<hbm>>
      %dma_start3A_117 = arith.constant 0 : i32
      %dma_start3A_118 = arith.constant 0 : i32
      %dma_start3A_119 = tpu.memref_slice %arg6[%run_scoped3A_92, %dma_start3A_117, %dma_start3A_118] : memref<4x64x256xf32, #tpu.memory_space<vmem>> -> memref<1x64x256xf32, #tpu.memory_space<vmem>>
      %dma_start3A_120 = tpu.memref_squeeze %dma_start3A_119 : memref<1x64x256xf32, #tpu.memory_space<vmem>> -> memref<64x256xf32, #tpu.memory_space<vmem>>
      tpu.enqueue_dma source(%dma_start3A_120 : memref<64x256xf32, #tpu.memory_space<vmem>>) target(%dma_start3A_116 : memref<64x256xf32, #tpu.memory_space<hbm>>) target_semaphore(%run_scoped3A_108 : memref<!tpu.dma_semaphore, #tpu.memory_space<semaphore_mem>>)
      %dma_wait3A_121 = arith.constant 0 : i32
      %dma_wait3A_122 = arith.constant 0 : i32
      %dma_wait3A_123 = tpu.memref_slice %arg6[%run_scoped3A_92, %dma_wait3A_121, %dma_wait3A_122] : memref<4x64x256xf32, #tpu.memory_space<vmem>> -> memref<1x64x256xf32, #tpu.memory_space<vmem>>
      %dma_wait3A_124 = tpu.memref_squeeze %dma_wait3A_123 : memref<1x64x256xf32, #tpu.memory_space<vmem>> -> memref<64x256xf32, #tpu.memory_space<vmem>>
      %dma_wait3A_125 = arith.constant 0 : i32
      %dma_wait3A_126 = tpu.memref_slice %arg4[%add3A_91, %dma_wait3A_125] : memref<8192x256xf32, #tpu.memory_space<hbm>> -> memref<64x256xf32, #tpu.memory_space<hbm>>
      %dma_wait3A_127 = arith.constant 0 : i32
      %dma_wait3A_128 = tpu.memref_slice %arg4[%add3A_91, %dma_wait3A_127] : memref<8192x256xf32, #tpu.memory_space<hbm>> -> memref<64x256xf32, #tpu.memory_space<hbm>>
      %dma_wait3A_129 = arith.constant 0 : i32
      %dma_wait3A_130 = arith.constant 0 : i32
      %dma_wait3A_131 = tpu.memref_slice %arg6[%run_scoped3A_92, %dma_wait3A_129, %dma_wait3A_130] : memref<4x64x256xf32, #tpu.memory_space<vmem>> -> memref<1x64x256xf32, #tpu.memory_space<vmem>>
      %dma_wait3A_132 = tpu.memref_squeeze %dma_wait3A_131 : memref<1x64x256xf32, #tpu.memory_space<vmem>> -> memref<64x256xf32, #tpu.memory_space<vmem>>
      tpu.wait_dma2 semaphore(%run_scoped3A_108 : memref<!tpu.dma_semaphore, #tpu.memory_space<semaphore_mem>>) src(%dma_wait3A_132 : memref<64x256xf32, #tpu.memory_space<vmem>>) dst(%dma_wait3A_128 : memref<64x256xf32, #tpu.memory_space<hbm>>)
      tpu.yield
    }) : () -> ()
    %dma_wait3A_93 = arith.constant 3 : i32
    %dma_wait3A_94 = arith.constant 3 : i32
    %dma_wait3A_95 = arith.constant 0 : i32
    %dma_wait3A_96 = arith.constant 0 : i32
    %dma_wait3A_97 = tpu.memref_slice %arg6[%dma_wait3A_94, %dma_wait3A_95, %dma_wait3A_96] : memref<4x64x256xf32, #tpu.memory_space<vmem>> -> memref<1x64x256xf32, #tpu.memory_space<vmem>>
    %dma_wait3A_98 = tpu.memref_squeeze %dma_wait3A_97 : memref<1x64x256xf32, #tpu.memory_space<vmem>> -> memref<64x256xf32, #tpu.memory_space<vmem>>
    %dma_wait3A_99 = arith.constant 0 : i32
    %dma_wait3A_100 = tpu.memref_slice %arg5[%dma_wait3A_93, %dma_wait3A_99] : memref<4x64xi32, #tpu.memory_space<vmem>> -> memref<1x64xi32, #tpu.memory_space<vmem>>
    %dma_wait3A_101 = tpu.memref_squeeze %dma_wait3A_100 : memref<1x64xi32, #tpu.memory_space<vmem>> -> memref<64xi32, #tpu.memory_space<vmem>>
    %dma_wait3A_102 = arith.constant 0 : i32
    %dma_wait3A_103 = arith.constant 0 : i32
    %dma_wait3A_104 = tpu.memref_slice %arg2[%dma_wait3A_102, %dma_wait3A_103] : memref<4160x256xf32, #tpu.memory_space<hbm>> -> memref<4160x256xf32, #tpu.memory_space<hbm>>
    tpu.wait_indirect_dma semaphore(%arg10 : memref<!tpu.dma_semaphore, #tpu.memory_space<semaphore_mem>>) src(%dma_wait3A_104 : memref<4160x256xf32, #tpu.memory_space<hbm>>) dst(%dma_wait3A_98 : memref<64x256xf32, #tpu.memory_space<vmem>>)
    %add3A_105 = arith.constant 192 : i32
    %add3A_106 = arith.addi %mul3A_2, %add3A_105 : i32
    %run_scoped3A_107 = arith.constant 3 : i32
    "tpu.region"() ({
      %run_scoped3A_108 = tpu.sem_alloc : memref<!tpu.dma_semaphore, #tpu.memory_space<semaphore_mem>>
      %dma_start3A_109 = arith.constant 0 : i32
      %dma_start3A_110 = arith.constant 0 : i32
      %dma_start3A_111 = tpu.memref_slice %arg6[%run_scoped3A_107, %dma_start3A_109, %dma_start3A_110] : memref<4x64x256xf32, #tpu.memory_space<vmem>> -> memref<1x64x256xf32, #tpu.memory_space<vmem>>
      %dma_start3A_112 = tpu.memref_squeeze %dma_start3A_111 : memref<1x64x256xf32, #tpu.memory_space<vmem>> -> memref<64x256xf32, #tpu.memory_space<vmem>>
      %dma_start3A_113 = arith.constant 0 : i32
      %dma_start3A_114 = tpu.memref_slice %arg4[%add3A_106, %dma_start3A_113] : memref<8192x256xf32, #tpu.memory_space<hbm>> -> memref<64x256xf32, #tpu.memory_space<hbm>>
      %dma_start3A_115 = arith.constant 0 : i32
      %dma_start3A_116 = tpu.memref_slice %arg4[%add3A_106, %dma_start3A_115] : memref<8192x256xf32, #tpu.memory_space<hbm>> -> memref<64x256xf32, #tpu.memory_space<hbm>>
      %dma_start3A_117 = arith.constant 0 : i32
      %dma_start3A_118 = arith.constant 0 : i32
      %dma_start3A_119 = tpu.memref_slice %arg6[%run_scoped3A_107, %dma_start3A_117, %dma_start3A_118] : memref<4x64x256xf32, #tpu.memory_space<vmem>> -> memref<1x64x256xf32, #tpu.memory_space<vmem>>
      %dma_start3A_120 = tpu.memref_squeeze %dma_start3A_119 : memref<1x64x256xf32, #tpu.memory_space<vmem>> -> memref<64x256xf32, #tpu.memory_space<vmem>>
      tpu.enqueue_dma source(%dma_start3A_120 : memref<64x256xf32, #tpu.memory_space<vmem>>) target(%dma_start3A_116 : memref<64x256xf32, #tpu.memory_space<hbm>>) target_semaphore(%run_scoped3A_108 : memref<!tpu.dma_semaphore, #tpu.memory_space<semaphore_mem>>)
      %dma_wait3A_121 = arith.constant 0 : i32
      %dma_wait3A_122 = arith.constant 0 : i32
      %dma_wait3A_123 = tpu.memref_slice %arg6[%run_scoped3A_107, %dma_wait3A_121, %dma_wait3A_122] : memref<4x64x256xf32, #tpu.memory_space<vmem>> -> memref<1x64x256xf32, #tpu.memory_space<vmem>>
      %dma_wait3A_124 = tpu.memref_squeeze %dma_wait3A_123 : memref<1x64x256xf32, #tpu.memory_space<vmem>> -> memref<64x256xf32, #tpu.memory_space<vmem>>
      %dma_wait3A_125 = arith.constant 0 : i32
      %dma_wait3A_126 = tpu.memref_slice %arg4[%add3A_106, %dma_wait3A_125] : memref<8192x256xf32, #tpu.memory_space<hbm>> -> memref<64x256xf32, #tpu.memory_space<hbm>>
      %dma_wait3A_127 = arith.constant 0 : i32
      %dma_wait3A_128 = tpu.memref_slice %arg4[%add3A_106, %dma_wait3A_127] : memref<8192x256xf32, #tpu.memory_space<hbm>> -> memref<64x256xf32, #tpu.memory_space<hbm>>
      %dma_wait3A_129 = arith.constant 0 : i32
      %dma_wait3A_130 = arith.constant 0 : i32
      %dma_wait3A_131 = tpu.memref_slice %arg6[%run_scoped3A_107, %dma_wait3A_129, %dma_wait3A_130] : memref<4x64x256xf32, #tpu.memory_space<vmem>> -> memref<1x64x256xf32, #tpu.memory_space<vmem>>
      %dma_wait3A_132 = tpu.memref_squeeze %dma_wait3A_131 : memref<1x64x256xf32, #tpu.memory_space<vmem>> -> memref<64x256xf32, #tpu.memory_space<vmem>>
      tpu.wait_dma2 semaphore(%run_scoped3A_108 : memref<!tpu.dma_semaphore, #tpu.memory_space<semaphore_mem>>) src(%dma_wait3A_132 : memref<64x256xf32, #tpu.memory_space<vmem>>) dst(%dma_wait3A_128 : memref<64x256xf32, #tpu.memory_space<hbm>>)
      tpu.yield
    }) : () -> ()
    return
  }
}

#map = affine_map<(d0, d1) -> (0, 0)>
#map1 = affine_map<(d0, d1) -> (0, 0, 0)>
module attributes {stable_mosaic.version = 14 : i64} {
  func.func @gather(%arg0: i32, %arg1: i32, %arg2: memref<4160x256xf32, #tpu.memory_space<hbm>>, %arg3: memref<32x4x64xi32, #tpu.memory_space<hbm>>, %arg4: memref<8192x256xf32, #tpu.memory_space<hbm>>, %arg5: memref<4x64xi32, #tpu.memory_space<vmem>>, %arg6: memref<4x64x256xf32, #tpu.memory_space<vmem>>, %arg7: memref<!tpu.dma_semaphore, #tpu.memory_space<semaphore_mem>>, %arg8: memref<!tpu.dma_semaphore, #tpu.memory_space<semaphore_mem>>, %arg9: memref<!tpu.dma_semaphore, #tpu.memory_space<semaphore_mem>>, %arg10: memref<!tpu.dma_semaphore, #tpu.memory_space<semaphore_mem>>) attributes {dimension_semantics = [#tpu.dimension_semantics<core_parallel>, #tpu.dimension_semantics<subcore_parallel>], iteration_bounds = array<i64: 2, 16>, scalar_prefetch = 0 : i64, scratch_operands = 6 : i64, tpu.core_type = #tpu.core_type<sc_vector_subcore>, window_params = [{transform_indices = #map}, {transform_indices = #map1}, {transform_indices = #map}]} {
    %mul3A = arith.constant 2 : i32
    %mul3A_0 = arith.muli %arg1, %mul3A : i32
    %add3A = arith.addi %mul3A_0, %arg0 : i32
    %mul3A_1 = arith.constant 256 : i32
    %mul3A_2 = arith.muli %add3A, %mul3A_1 : i32
    "tpu.region"() ({
      %run_scoped3A_108 = tpu.sem_alloc : memref<!tpu.dma_semaphore, #tpu.memory_space<semaphore_mem>>
      %dma_start3A_109 = arith.constant 0 : i32
      %dma_start3A_110 = arith.constant 0 : i32
      %dma_start3A_111 = tpu.memref_slice %arg3[%add3A, %dma_start3A_109, %dma_start3A_110] : memref<32x4x64xi32, #tpu.memory_space<hbm>> -> memref<1x4x64xi32, #tpu.memory_space<hbm>>
      %dma_start3A_112 = tpu.memref_squeeze %dma_start3A_111 : memref<1x4x64xi32, #tpu.memory_space<hbm>> -> memref<4x64xi32, #tpu.memory_space<hbm>>
      %dma_start3A_113 = arith.constant 0 : i32
      %dma_start3A_114 = arith.constant 0 : i32
      %dma_start3A_115 = tpu.memref_slice %arg3[%add3A, %dma_start3A_113, %dma_start3A_114] : memref<32x4x64xi32, #tpu.memory_space<hbm>> -> memref<1x4x64xi32, #tpu.memory_space<hbm>>
      %dma_start3A_116 = tpu.memref_squeeze %dma_start3A_115 : memref<1x4x64xi32, #tpu.memory_space<hbm>> -> memref<4x64xi32, #tpu.memory_space<hbm>>
      tpu.enqueue_dma source(%dma_start3A_116 : memref<4x64xi32, #tpu.memory_space<hbm>>) target(%arg5 : memref<4x64xi32, #tpu.memory_space<vmem>>) target_semaphore(%run_scoped3A_108 : memref<!tpu.dma_semaphore, #tpu.memory_space<semaphore_mem>>)
      %dma_wait3A_117 = arith.constant 0 : i32
      %dma_wait3A_118 = arith.constant 0 : i32
      %dma_wait3A_119 = tpu.memref_slice %arg3[%add3A, %dma_wait3A_117, %dma_wait3A_118] : memref<32x4x64xi32, #tpu.memory_space<hbm>> -> memref<1x4x64xi32, #tpu.memory_space<hbm>>
      %dma_wait3A_120 = tpu.memref_squeeze %dma_wait3A_119 : memref<1x4x64xi32, #tpu.memory_space<hbm>> -> memref<4x64xi32, #tpu.memory_space<hbm>>
      %dma_wait3A_121 = arith.constant 0 : i32
      %dma_wait3A_122 = arith.constant 0 : i32
      %dma_wait3A_123 = tpu.memref_slice %arg3[%add3A, %dma_wait3A_121, %dma_wait3A_122] : memref<32x4x64xi32, #tpu.memory_space<hbm>> -> memref<1x4x64xi32, #tpu.memory_space<hbm>>
      %dma_wait3A_124 = tpu.memref_squeeze %dma_wait3A_123 : memref<1x4x64xi32, #tpu.memory_space<hbm>> -> memref<4x64xi32, #tpu.memory_space<hbm>>
      tpu.wait_dma2 semaphore(%run_scoped3A_108 : memref<!tpu.dma_semaphore, #tpu.memory_space<semaphore_mem>>) src(%dma_wait3A_124 : memref<4x64xi32, #tpu.memory_space<hbm>>) dst(%arg5 : memref<4x64xi32, #tpu.memory_space<vmem>>)
      tpu.yield
    }) : () -> ()
    %dma_start3A = arith.constant 0 : i32
    %dma_start3A_3 = arith.constant 0 : i32
    %dma_start3A_4 = arith.constant 0 : i32
    %dma_start3A_5 = arith.constant 0 : i32
    %dma_start3A_6 = tpu.memref_slice %arg6[%dma_start3A_3, %dma_start3A_4, %dma_start3A_5] : memref<4x64x256xf32, #tpu.memory_space<vmem>> -> memref<1x64x256xf32, #tpu.memory_space<vmem>>
    %dma_start3A_7 = tpu.memref_squeeze %dma_start3A_6 : memref<1x64x256xf32, #tpu.memory_space<vmem>> -> memref<64x256xf32, #tpu.memory_space<vmem>>
    %dma_start3A_8 = arith.constant 0 : i32
    %dma_start3A_9 = tpu.memref_slice %arg5[%dma_start3A, %dma_start3A_8] : memref<4x64xi32, #tpu.memory_space<vmem>> -> memref<1x64xi32, #tpu.memory_space<vmem>>
    %dma_start3A_10 = tpu.memref_squeeze %dma_start3A_9 : memref<1x64xi32, #tpu.memory_space<vmem>> -> memref<64xi32, #tpu.memory_space<vmem>>
    %dma_start3A_11 = arith.constant 0 : i32
    %dma_start3A_12 = arith.constant 0 : i32
    %dma_start3A_13 = tpu.memref_slice %arg2[%dma_start3A_11, %dma_start3A_12] : memref<4160x256xf32, #tpu.memory_space<hbm>> -> memref<4160x256xf32, #tpu.memory_space<hbm>>
    tpu.enqueue_indirect_dma source(%dma_start3A_13 : memref<4160x256xf32, #tpu.memory_space<hbm>>) target(%dma_start3A_7 : memref<64x256xf32, #tpu.memory_space<vmem>>) offsets(%dma_start3A_10 : memref<64xi32, #tpu.memory_space<vmem>>) semaphore(%arg7 : memref<!tpu.dma_semaphore, #tpu.memory_space<semaphore_mem>>)
    %dma_start3A_14 = arith.constant 1 : i32
    %dma_start3A_15 = arith.constant 1 : i32
    %dma_start3A_16 = arith.constant 0 : i32
    %dma_start3A_17 = arith.constant 0 : i32
    %dma_start3A_18 = tpu.memref_slice %arg6[%dma_start3A_15, %dma_start3A_16, %dma_start3A_17] : memref<4x64x256xf32, #tpu.memory_space<vmem>> -> memref<1x64x256xf32, #tpu.memory_space<vmem>>
    %dma_start3A_19 = tpu.memref_squeeze %dma_start3A_18 : memref<1x64x256xf32, #tpu.memory_space<vmem>> -> memref<64x256xf32, #tpu.memory_space<vmem>>
    %dma_start3A_20 = arith.constant 0 : i32
    %dma_start3A_21 = tpu.memref_slice %arg5[%dma_start3A_14, %dma_start3A_20] : memref<4x64xi32, #tpu.memory_space<vmem>> -> memref<1x64xi32, #tpu.memory_space<vmem>>
    %dma_start3A_22 = tpu.memref_squeeze %dma_start3A_21 : memref<1x64xi32, #tpu.memory_space<vmem>> -> memref<64xi32, #tpu.memory_space<vmem>>
    %dma_start3A_23 = arith.constant 0 : i32
    %dma_start3A_24 = arith.constant 0 : i32
    %dma_start3A_25 = tpu.memref_slice %arg2[%dma_start3A_23, %dma_start3A_24] : memref<4160x256xf32, #tpu.memory_space<hbm>> -> memref<4160x256xf32, #tpu.memory_space<hbm>>
    tpu.enqueue_indirect_dma source(%dma_start3A_25 : memref<4160x256xf32, #tpu.memory_space<hbm>>) target(%dma_start3A_19 : memref<64x256xf32, #tpu.memory_space<vmem>>) offsets(%dma_start3A_22 : memref<64xi32, #tpu.memory_space<vmem>>) semaphore(%arg8 : memref<!tpu.dma_semaphore, #tpu.memory_space<semaphore_mem>>)
    %dma_start3A_26 = arith.constant 2 : i32
    %dma_start3A_27 = arith.constant 2 : i32
    %dma_start3A_28 = arith.constant 0 : i32
    %dma_start3A_29 = arith.constant 0 : i32
    %dma_start3A_30 = tpu.memref_slice %arg6[%dma_start3A_27, %dma_start3A_28, %dma_start3A_29] : memref<4x64x256xf32, #tpu.memory_space<vmem>> -> memref<1x64x256xf32, #tpu.memory_space<vmem>>
    %dma_start3A_31 = tpu.memref_squeeze %dma_start3A_30 : memref<1x64x256xf32, #tpu.memory_space<vmem>> -> memref<64x256xf32, #tpu.memory_space<vmem>>
    %dma_start3A_32 = arith.constant 0 : i32
    %dma_start3A_33 = tpu.memref_slice %arg5[%dma_start3A_26, %dma_start3A_32] : memref<4x64xi32, #tpu.memory_space<vmem>> -> memref<1x64xi32, #tpu.memory_space<vmem>>
    %dma_start3A_34 = tpu.memref_squeeze %dma_start3A_33 : memref<1x64xi32, #tpu.memory_space<vmem>> -> memref<64xi32, #tpu.memory_space<vmem>>
    %dma_start3A_35 = arith.constant 0 : i32
    %dma_start3A_36 = arith.constant 0 : i32
    %dma_start3A_37 = tpu.memref_slice %arg2[%dma_start3A_35, %dma_start3A_36] : memref<4160x256xf32, #tpu.memory_space<hbm>> -> memref<4160x256xf32, #tpu.memory_space<hbm>>
    tpu.enqueue_indirect_dma source(%dma_start3A_37 : memref<4160x256xf32, #tpu.memory_space<hbm>>) target(%dma_start3A_31 : memref<64x256xf32, #tpu.memory_space<vmem>>) offsets(%dma_start3A_34 : memref<64xi32, #tpu.memory_space<vmem>>) semaphore(%arg9 : memref<!tpu.dma_semaphore, #tpu.memory_space<semaphore_mem>>)
    %dma_start3A_38 = arith.constant 3 : i32
    %dma_start3A_39 = arith.constant 3 : i32
    %dma_start3A_40 = arith.constant 0 : i32
    %dma_start3A_41 = arith.constant 0 : i32
    %dma_start3A_42 = tpu.memref_slice %arg6[%dma_start3A_39, %dma_start3A_40, %dma_start3A_41] : memref<4x64x256xf32, #tpu.memory_space<vmem>> -> memref<1x64x256xf32, #tpu.memory_space<vmem>>
    %dma_start3A_43 = tpu.memref_squeeze %dma_start3A_42 : memref<1x64x256xf32, #tpu.memory_space<vmem>> -> memref<64x256xf32, #tpu.memory_space<vmem>>
    %dma_start3A_44 = arith.constant 0 : i32
    %dma_start3A_45 = tpu.memref_slice %arg5[%dma_start3A_38, %dma_start3A_44] : memref<4x64xi32, #tpu.memory_space<vmem>> -> memref<1x64xi32, #tpu.memory_space<vmem>>
    %dma_start3A_46 = tpu.memref_squeeze %dma_start3A_45 : memref<1x64xi32, #tpu.memory_space<vmem>> -> memref<64xi32, #tpu.memory_space<vmem>>
    %dma_start3A_47 = arith.constant 0 : i32
    %dma_start3A_48 = arith.constant 0 : i32
    %dma_start3A_49 = tpu.memref_slice %arg2[%dma_start3A_47, %dma_start3A_48] : memref<4160x256xf32, #tpu.memory_space<hbm>> -> memref<4160x256xf32, #tpu.memory_space<hbm>>
    tpu.enqueue_indirect_dma source(%dma_start3A_49 : memref<4160x256xf32, #tpu.memory_space<hbm>>) target(%dma_start3A_43 : memref<64x256xf32, #tpu.memory_space<vmem>>) offsets(%dma_start3A_46 : memref<64xi32, #tpu.memory_space<vmem>>) semaphore(%arg10 : memref<!tpu.dma_semaphore, #tpu.memory_space<semaphore_mem>>)
    %dma_wait3A = arith.constant 0 : i32
    %dma_wait3A_50 = arith.constant 0 : i32
    %dma_wait3A_51 = arith.constant 0 : i32
    %dma_wait3A_52 = arith.constant 0 : i32
    %dma_wait3A_53 = tpu.memref_slice %arg6[%dma_wait3A_50, %dma_wait3A_51, %dma_wait3A_52] : memref<4x64x256xf32, #tpu.memory_space<vmem>> -> memref<1x64x256xf32, #tpu.memory_space<vmem>>
    %dma_wait3A_54 = tpu.memref_squeeze %dma_wait3A_53 : memref<1x64x256xf32, #tpu.memory_space<vmem>> -> memref<64x256xf32, #tpu.memory_space<vmem>>
    %dma_wait3A_55 = arith.constant 0 : i32
    %dma_wait3A_56 = tpu.memref_slice %arg5[%dma_wait3A, %dma_wait3A_55] : memref<4x64xi32, #tpu.memory_space<vmem>> -> memref<1x64xi32, #tpu.memory_space<vmem>>
    %dma_wait3A_57 = tpu.memref_squeeze %dma_wait3A_56 : memref<1x64xi32, #tpu.memory_space<vmem>> -> memref<64xi32, #tpu.memory_space<vmem>>
    %dma_wait3A_58 = arith.constant 0 : i32
    %dma_wait3A_59 = arith.constant 0 : i32
    %dma_wait3A_60 = tpu.memref_slice %arg2[%dma_wait3A_58, %dma_wait3A_59] : memref<4160x256xf32, #tpu.memory_space<hbm>> -> memref<4160x256xf32, #tpu.memory_space<hbm>>
    tpu.wait_indirect_dma semaphore(%arg7 : memref<!tpu.dma_semaphore, #tpu.memory_space<semaphore_mem>>) src(%dma_wait3A_60 : memref<4160x256xf32, #tpu.memory_space<hbm>>) dst(%dma_wait3A_54 : memref<64x256xf32, #tpu.memory_space<vmem>>)
    %add3A_61 = arith.constant 0 : i32
    %add3A_62 = arith.addi %mul3A_2, %add3A_61 : i32
    %run_scoped3A = arith.constant 0 : i32
    "tpu.region"() ({
      %run_scoped3A_108 = tpu.sem_alloc : memref<!tpu.dma_semaphore, #tpu.memory_space<semaphore_mem>>
      %dma_start3A_109 = arith.constant 0 : i32
      %dma_start3A_110 = arith.constant 0 : i32
      %dma_start3A_111 = tpu.memref_slice %arg6[%run_scoped3A, %dma_start3A_109, %dma_start3A_110] : memref<4x64x256xf32, #tpu.memory_space<vmem>> -> memref<1x64x256xf32, #tpu.memory_space<vmem>>
      %dma_start3A_112 = tpu.memref_squeeze %dma_start3A_111 : memref<1x64x256xf32, #tpu.memory_space<vmem>> -> memref<64x256xf32, #tpu.memory_space<vmem>>
      %dma_start3A_113 = arith.constant 0 : i32
      %dma_start3A_114 = tpu.memref_slice %arg4[%add3A_62, %dma_start3A_113] : memref<8192x256xf32, #tpu.memory_space<hbm>> -> memref<64x256xf32, #tpu.memory_space<hbm>>
      %dma_start3A_115 = arith.constant 0 : i32
      %dma_start3A_116 = tpu.memref_slice %arg4[%add3A_62, %dma_start3A_115] : memref<8192x256xf32, #tpu.memory_space<hbm>> -> memref<64x256xf32, #tpu.memory_space<hbm>>
      %dma_start3A_117 = arith.constant 0 : i32
      %dma_start3A_118 = arith.constant 0 : i32
      %dma_start3A_119 = tpu.memref_slice %arg6[%run_scoped3A, %dma_start3A_117, %dma_start3A_118] : memref<4x64x256xf32, #tpu.memory_space<vmem>> -> memref<1x64x256xf32, #tpu.memory_space<vmem>>
      %dma_start3A_120 = tpu.memref_squeeze %dma_start3A_119 : memref<1x64x256xf32, #tpu.memory_space<vmem>> -> memref<64x256xf32, #tpu.memory_space<vmem>>
      tpu.enqueue_dma source(%dma_start3A_120 : memref<64x256xf32, #tpu.memory_space<vmem>>) target(%dma_start3A_116 : memref<64x256xf32, #tpu.memory_space<hbm>>) target_semaphore(%run_scoped3A_108 : memref<!tpu.dma_semaphore, #tpu.memory_space<semaphore_mem>>)
      %dma_wait3A_121 = arith.constant 0 : i32
      %dma_wait3A_122 = arith.constant 0 : i32
      %dma_wait3A_123 = tpu.memref_slice %arg6[%run_scoped3A, %dma_wait3A_121, %dma_wait3A_122] : memref<4x64x256xf32, #tpu.memory_space<vmem>> -> memref<1x64x256xf32, #tpu.memory_space<vmem>>
      %dma_wait3A_124 = tpu.memref_squeeze %dma_wait3A_123 : memref<1x64x256xf32, #tpu.memory_space<vmem>> -> memref<64x256xf32, #tpu.memory_space<vmem>>
      %dma_wait3A_125 = arith.constant 0 : i32
      %dma_wait3A_126 = tpu.memref_slice %arg4[%add3A_62, %dma_wait3A_125] : memref<8192x256xf32, #tpu.memory_space<hbm>> -> memref<64x256xf32, #tpu.memory_space<hbm>>
      %dma_wait3A_127 = arith.constant 0 : i32
      %dma_wait3A_128 = tpu.memref_slice %arg4[%add3A_62, %dma_wait3A_127] : memref<8192x256xf32, #tpu.memory_space<hbm>> -> memref<64x256xf32, #tpu.memory_space<hbm>>
      %dma_wait3A_129 = arith.constant 0 : i32
      %dma_wait3A_130 = arith.constant 0 : i32
      %dma_wait3A_131 = tpu.memref_slice %arg6[%run_scoped3A, %dma_wait3A_129, %dma_wait3A_130] : memref<4x64x256xf32, #tpu.memory_space<vmem>> -> memref<1x64x256xf32, #tpu.memory_space<vmem>>
      %dma_wait3A_132 = tpu.memref_squeeze %dma_wait3A_131 : memref<1x64x256xf32, #tpu.memory_space<vmem>> -> memref<64x256xf32, #tpu.memory_space<vmem>>
      tpu.wait_dma2 semaphore(%run_scoped3A_108 : memref<!tpu.dma_semaphore, #tpu.memory_space<semaphore_mem>>) src(%dma_wait3A_132 : memref<64x256xf32, #tpu.memory_space<vmem>>) dst(%dma_wait3A_128 : memref<64x256xf32, #tpu.memory_space<hbm>>)
      tpu.yield
    }) : () -> ()
    %dma_wait3A_63 = arith.constant 1 : i32
    %dma_wait3A_64 = arith.constant 1 : i32
    %dma_wait3A_65 = arith.constant 0 : i32
    %dma_wait3A_66 = arith.constant 0 : i32
    %dma_wait3A_67 = tpu.memref_slice %arg6[%dma_wait3A_64, %dma_wait3A_65, %dma_wait3A_66] : memref<4x64x256xf32, #tpu.memory_space<vmem>> -> memref<1x64x256xf32, #tpu.memory_space<vmem>>
    %dma_wait3A_68 = tpu.memref_squeeze %dma_wait3A_67 : memref<1x64x256xf32, #tpu.memory_space<vmem>> -> memref<64x256xf32, #tpu.memory_space<vmem>>
    %dma_wait3A_69 = arith.constant 0 : i32
    %dma_wait3A_70 = tpu.memref_slice %arg5[%dma_wait3A_63, %dma_wait3A_69] : memref<4x64xi32, #tpu.memory_space<vmem>> -> memref<1x64xi32, #tpu.memory_space<vmem>>
    %dma_wait3A_71 = tpu.memref_squeeze %dma_wait3A_70 : memref<1x64xi32, #tpu.memory_space<vmem>> -> memref<64xi32, #tpu.memory_space<vmem>>
    %dma_wait3A_72 = arith.constant 0 : i32
    %dma_wait3A_73 = arith.constant 0 : i32
    %dma_wait3A_74 = tpu.memref_slice %arg2[%dma_wait3A_72, %dma_wait3A_73] : memref<4160x256xf32, #tpu.memory_space<hbm>> -> memref<4160x256xf32, #tpu.memory_space<hbm>>
    tpu.wait_indirect_dma semaphore(%arg8 : memref<!tpu.dma_semaphore, #tpu.memory_space<semaphore_mem>>) src(%dma_wait3A_74 : memref<4160x256xf32, #tpu.memory_space<hbm>>) dst(%dma_wait3A_68 : memref<64x256xf32, #tpu.memory_space<vmem>>)
    %add3A_75 = arith.constant 64 : i32
    %add3A_76 = arith.addi %mul3A_2, %add3A_75 : i32
    %run_scoped3A_77 = arith.constant 1 : i32
    "tpu.region"() ({
      %run_scoped3A_108 = tpu.sem_alloc : memref<!tpu.dma_semaphore, #tpu.memory_space<semaphore_mem>>
      %dma_start3A_109 = arith.constant 0 : i32
      %dma_start3A_110 = arith.constant 0 : i32
      %dma_start3A_111 = tpu.memref_slice %arg6[%run_scoped3A_77, %dma_start3A_109, %dma_start3A_110] : memref<4x64x256xf32, #tpu.memory_space<vmem>> -> memref<1x64x256xf32, #tpu.memory_space<vmem>>
      %dma_start3A_112 = tpu.memref_squeeze %dma_start3A_111 : memref<1x64x256xf32, #tpu.memory_space<vmem>> -> memref<64x256xf32, #tpu.memory_space<vmem>>
      %dma_start3A_113 = arith.constant 0 : i32
      %dma_start3A_114 = tpu.memref_slice %arg4[%add3A_76, %dma_start3A_113] : memref<8192x256xf32, #tpu.memory_space<hbm>> -> memref<64x256xf32, #tpu.memory_space<hbm>>
      %dma_start3A_115 = arith.constant 0 : i32
      %dma_start3A_116 = tpu.memref_slice %arg4[%add3A_76, %dma_start3A_115] : memref<8192x256xf32, #tpu.memory_space<hbm>> -> memref<64x256xf32, #tpu.memory_space<hbm>>
      %dma_start3A_117 = arith.constant 0 : i32
      %dma_start3A_118 = arith.constant 0 : i32
      %dma_start3A_119 = tpu.memref_slice %arg6[%run_scoped3A_77, %dma_start3A_117, %dma_start3A_118] : memref<4x64x256xf32, #tpu.memory_space<vmem>> -> memref<1x64x256xf32, #tpu.memory_space<vmem>>
      %dma_start3A_120 = tpu.memref_squeeze %dma_start3A_119 : memref<1x64x256xf32, #tpu.memory_space<vmem>> -> memref<64x256xf32, #tpu.memory_space<vmem>>
      tpu.enqueue_dma source(%dma_start3A_120 : memref<64x256xf32, #tpu.memory_space<vmem>>) target(%dma_start3A_116 : memref<64x256xf32, #tpu.memory_space<hbm>>) target_semaphore(%run_scoped3A_108 : memref<!tpu.dma_semaphore, #tpu.memory_space<semaphore_mem>>)
      %dma_wait3A_121 = arith.constant 0 : i32
      %dma_wait3A_122 = arith.constant 0 : i32
      %dma_wait3A_123 = tpu.memref_slice %arg6[%run_scoped3A_77, %dma_wait3A_121, %dma_wait3A_122] : memref<4x64x256xf32, #tpu.memory_space<vmem>> -> memref<1x64x256xf32, #tpu.memory_space<vmem>>
      %dma_wait3A_124 = tpu.memref_squeeze %dma_wait3A_123 : memref<1x64x256xf32, #tpu.memory_space<vmem>> -> memref<64x256xf32, #tpu.memory_space<vmem>>
      %dma_wait3A_125 = arith.constant 0 : i32
      %dma_wait3A_126 = tpu.memref_slice %arg4[%add3A_76, %dma_wait3A_125] : memref<8192x256xf32, #tpu.memory_space<hbm>> -> memref<64x256xf32, #tpu.memory_space<hbm>>
      %dma_wait3A_127 = arith.constant 0 : i32
      %dma_wait3A_128 = tpu.memref_slice %arg4[%add3A_76, %dma_wait3A_127] : memref<8192x256xf32, #tpu.memory_space<hbm>> -> memref<64x256xf32, #tpu.memory_space<hbm>>
      %dma_wait3A_129 = arith.constant 0 : i32
      %dma_wait3A_130 = arith.constant 0 : i32
      %dma_wait3A_131 = tpu.memref_slice %arg6[%run_scoped3A_77, %dma_wait3A_129, %dma_wait3A_130] : memref<4x64x256xf32, #tpu.memory_space<vmem>> -> memref<1x64x256xf32, #tpu.memory_space<vmem>>
      %dma_wait3A_132 = tpu.memref_squeeze %dma_wait3A_131 : memref<1x64x256xf32, #tpu.memory_space<vmem>> -> memref<64x256xf32, #tpu.memory_space<vmem>>
      tpu.wait_dma2 semaphore(%run_scoped3A_108 : memref<!tpu.dma_semaphore, #tpu.memory_space<semaphore_mem>>) src(%dma_wait3A_132 : memref<64x256xf32, #tpu.memory_space<vmem>>) dst(%dma_wait3A_128 : memref<64x256xf32, #tpu.memory_space<hbm>>)
      tpu.yield
    }) : () -> ()
    %dma_wait3A_78 = arith.constant 2 : i32
    %dma_wait3A_79 = arith.constant 2 : i32
    %dma_wait3A_80 = arith.constant 0 : i32
    %dma_wait3A_81 = arith.constant 0 : i32
    %dma_wait3A_82 = tpu.memref_slice %arg6[%dma_wait3A_79, %dma_wait3A_80, %dma_wait3A_81] : memref<4x64x256xf32, #tpu.memory_space<vmem>> -> memref<1x64x256xf32, #tpu.memory_space<vmem>>
    %dma_wait3A_83 = tpu.memref_squeeze %dma_wait3A_82 : memref<1x64x256xf32, #tpu.memory_space<vmem>> -> memref<64x256xf32, #tpu.memory_space<vmem>>
    %dma_wait3A_84 = arith.constant 0 : i32
    %dma_wait3A_85 = tpu.memref_slice %arg5[%dma_wait3A_78, %dma_wait3A_84] : memref<4x64xi32, #tpu.memory_space<vmem>> -> memref<1x64xi32, #tpu.memory_space<vmem>>
    %dma_wait3A_86 = tpu.memref_squeeze %dma_wait3A_85 : memref<1x64xi32, #tpu.memory_space<vmem>> -> memref<64xi32, #tpu.memory_space<vmem>>
    %dma_wait3A_87 = arith.constant 0 : i32
    %dma_wait3A_88 = arith.constant 0 : i32
    %dma_wait3A_89 = tpu.memref_slice %arg2[%dma_wait3A_87, %dma_wait3A_88] : memref<4160x256xf32, #tpu.memory_space<hbm>> -> memref<4160x256xf32, #tpu.memory_space<hbm>>
    tpu.wait_indirect_dma semaphore(%arg9 : memref<!tpu.dma_semaphore, #tpu.memory_space<semaphore_mem>>) src(%dma_wait3A_89 : memref<4160x256xf32, #tpu.memory_space<hbm>>) dst(%dma_wait3A_83 : memref<64x256xf32, #tpu.memory_space<vmem>>)
    %add3A_90 = arith.constant 128 : i32
    %add3A_91 = arith.addi %mul3A_2, %add3A_90 : i32
    %run_scoped3A_92 = arith.constant 2 : i32
    "tpu.region"() ({
      %run_scoped3A_108 = tpu.sem_alloc : memref<!tpu.dma_semaphore, #tpu.memory_space<semaphore_mem>>
      %dma_start3A_109 = arith.constant 0 : i32
      %dma_start3A_110 = arith.constant 0 : i32
      %dma_start3A_111 = tpu.memref_slice %arg6[%run_scoped3A_92, %dma_start3A_109, %dma_start3A_110] : memref<4x64x256xf32, #tpu.memory_space<vmem>> -> memref<1x64x256xf32, #tpu.memory_space<vmem>>
      %dma_start3A_112 = tpu.memref_squeeze %dma_start3A_111 : memref<1x64x256xf32, #tpu.memory_space<vmem>> -> memref<64x256xf32, #tpu.memory_space<vmem>>
      %dma_start3A_113 = arith.constant 0 : i32
      %dma_start3A_114 = tpu.memref_slice %arg4[%add3A_91, %dma_start3A_113] : memref<8192x256xf32, #tpu.memory_space<hbm>> -> memref<64x256xf32, #tpu.memory_space<hbm>>
      %dma_start3A_115 = arith.constant 0 : i32
      %dma_start3A_116 = tpu.memref_slice %arg4[%add3A_91, %dma_start3A_115] : memref<8192x256xf32, #tpu.memory_space<hbm>> -> memref<64x256xf32, #tpu.memory_space<hbm>>
      %dma_start3A_117 = arith.constant 0 : i32
      %dma_start3A_118 = arith.constant 0 : i32
      %dma_start3A_119 = tpu.memref_slice %arg6[%run_scoped3A_92, %dma_start3A_117, %dma_start3A_118] : memref<4x64x256xf32, #tpu.memory_space<vmem>> -> memref<1x64x256xf32, #tpu.memory_space<vmem>>
      %dma_start3A_120 = tpu.memref_squeeze %dma_start3A_119 : memref<1x64x256xf32, #tpu.memory_space<vmem>> -> memref<64x256xf32, #tpu.memory_space<vmem>>
      tpu.enqueue_dma source(%dma_start3A_120 : memref<64x256xf32, #tpu.memory_space<vmem>>) target(%dma_start3A_116 : memref<64x256xf32, #tpu.memory_space<hbm>>) target_semaphore(%run_scoped3A_108 : memref<!tpu.dma_semaphore, #tpu.memory_space<semaphore_mem>>)
      %dma_wait3A_121 = arith.constant 0 : i32
      %dma_wait3A_122 = arith.constant 0 : i32
      %dma_wait3A_123 = tpu.memref_slice %arg6[%run_scoped3A_92, %dma_wait3A_121, %dma_wait3A_122] : memref<4x64x256xf32, #tpu.memory_space<vmem>> -> memref<1x64x256xf32, #tpu.memory_space<vmem>>
      %dma_wait3A_124 = tpu.memref_squeeze %dma_wait3A_123 : memref<1x64x256xf32, #tpu.memory_space<vmem>> -> memref<64x256xf32, #tpu.memory_space<vmem>>
      %dma_wait3A_125 = arith.constant 0 : i32
      %dma_wait3A_126 = tpu.memref_slice %arg4[%add3A_91, %dma_wait3A_125] : memref<8192x256xf32, #tpu.memory_space<hbm>> -> memref<64x256xf32, #tpu.memory_space<hbm>>
      %dma_wait3A_127 = arith.constant 0 : i32
      %dma_wait3A_128 = tpu.memref_slice %arg4[%add3A_91, %dma_wait3A_127] : memref<8192x256xf32, #tpu.memory_space<hbm>> -> memref<64x256xf32, #tpu.memory_space<hbm>>
      %dma_wait3A_129 = arith.constant 0 : i32
      %dma_wait3A_130 = arith.constant 0 : i32
      %dma_wait3A_131 = tpu.memref_slice %arg6[%run_scoped3A_92, %dma_wait3A_129, %dma_wait3A_130] : memref<4x64x256xf32, #tpu.memory_space<vmem>> -> memref<1x64x256xf32, #tpu.memory_space<vmem>>
      %dma_wait3A_132 = tpu.memref_squeeze %dma_wait3A_131 : memref<1x64x256xf32, #tpu.memory_space<vmem>> -> memref<64x256xf32, #tpu.memory_space<vmem>>
      tpu.wait_dma2 semaphore(%run_scoped3A_108 : memref<!tpu.dma_semaphore, #tpu.memory_space<semaphore_mem>>) src(%dma_wait3A_132 : memref<64x256xf32, #tpu.memory_space<vmem>>) dst(%dma_wait3A_128 : memref<64x256xf32, #tpu.memory_space<hbm>>)
      tpu.yield
    }) : () -> ()
    %dma_wait3A_93 = arith.constant 3 : i32
    %dma_wait3A_94 = arith.constant 3 : i32
    %dma_wait3A_95 = arith.constant 0 : i32
    %dma_wait3A_96 = arith.constant 0 : i32
    %dma_wait3A_97 = tpu.memref_slice %arg6[%dma_wait3A_94, %dma_wait3A_95, %dma_wait3A_96] : memref<4x64x256xf32, #tpu.memory_space<vmem>> -> memref<1x64x256xf32, #tpu.memory_space<vmem>>
    %dma_wait3A_98 = tpu.memref_squeeze %dma_wait3A_97 : memref<1x64x256xf32, #tpu.memory_space<vmem>> -> memref<64x256xf32, #tpu.memory_space<vmem>>
    %dma_wait3A_99 = arith.constant 0 : i32
    %dma_wait3A_100 = tpu.memref_slice %arg5[%dma_wait3A_93, %dma_wait3A_99] : memref<4x64xi32, #tpu.memory_space<vmem>> -> memref<1x64xi32, #tpu.memory_space<vmem>>
    %dma_wait3A_101 = tpu.memref_squeeze %dma_wait3A_100 : memref<1x64xi32, #tpu.memory_space<vmem>> -> memref<64xi32, #tpu.memory_space<vmem>>
    %dma_wait3A_102 = arith.constant 0 : i32
    %dma_wait3A_103 = arith.constant 0 : i32
    %dma_wait3A_104 = tpu.memref_slice %arg2[%dma_wait3A_102, %dma_wait3A_103] : memref<4160x256xf32, #tpu.memory_space<hbm>> -> memref<4160x256xf32, #tpu.memory_space<hbm>>
    tpu.wait_indirect_dma semaphore(%arg10 : memref<!tpu.dma_semaphore, #tpu.memory_space<semaphore_mem>>) src(%dma_wait3A_104 : memref<4160x256xf32, #tpu.memory_space<hbm>>) dst(%dma_wait3A_98 : memref<64x256xf32, #tpu.memory_space<vmem>>)
    %add3A_105 = arith.constant 192 : i32
    %add3A_106 = arith.addi %mul3A_2, %add3A_105 : i32
    %run_scoped3A_107 = arith.constant 3 : i32
    "tpu.region"() ({
      %run_scoped3A_108 = tpu.sem_alloc : memref<!tpu.dma_semaphore, #tpu.memory_space<semaphore_mem>>
      %dma_start3A_109 = arith.constant 0 : i32
      %dma_start3A_110 = arith.constant 0 : i32
      %dma_start3A_111 = tpu.memref_slice %arg6[%run_scoped3A_107, %dma_start3A_109, %dma_start3A_110] : memref<4x64x256xf32, #tpu.memory_space<vmem>> -> memref<1x64x256xf32, #tpu.memory_space<vmem>>
      %dma_start3A_112 = tpu.memref_squeeze %dma_start3A_111 : memref<1x64x256xf32, #tpu.memory_space<vmem>> -> memref<64x256xf32, #tpu.memory_space<vmem>>
      %dma_start3A_113 = arith.constant 0 : i32
      %dma_start3A_114 = tpu.memref_slice %arg4[%add3A_106, %dma_start3A_113] : memref<8192x256xf32, #tpu.memory_space<hbm>> -> memref<64x256xf32, #tpu.memory_space<hbm>>
      %dma_start3A_115 = arith.constant 0 : i32
      %dma_start3A_116 = tpu.memref_slice %arg4[%add3A_106, %dma_start3A_115] : memref<8192x256xf32, #tpu.memory_space<hbm>> -> memref<64x256xf32, #tpu.memory_space<hbm>>
      %dma_start3A_117 = arith.constant 0 : i32
      %dma_start3A_118 = arith.constant 0 : i32
      %dma_start3A_119 = tpu.memref_slice %arg6[%run_scoped3A_107, %dma_start3A_117, %dma_start3A_118] : memref<4x64x256xf32, #tpu.memory_space<vmem>> -> memref<1x64x256xf32, #tpu.memory_space<vmem>>
      %dma_start3A_120 = tpu.memref_squeeze %dma_start3A_119 : memref<1x64x256xf32, #tpu.memory_space<vmem>> -> memref<64x256xf32, #tpu.memory_space<vmem>>
      tpu.enqueue_dma source(%dma_start3A_120 : memref<64x256xf32, #tpu.memory_space<vmem>>) target(%dma_start3A_116 : memref<64x256xf32, #tpu.memory_space<hbm>>) target_semaphore(%run_scoped3A_108 : memref<!tpu.dma_semaphore, #tpu.memory_space<semaphore_mem>>)
      %dma_wait3A_121 = arith.constant 0 : i32
      %dma_wait3A_122 = arith.constant 0 : i32
      %dma_wait3A_123 = tpu.memref_slice %arg6[%run_scoped3A_107, %dma_wait3A_121, %dma_wait3A_122] : memref<4x64x256xf32, #tpu.memory_space<vmem>> -> memref<1x64x256xf32, #tpu.memory_space<vmem>>
      %dma_wait3A_124 = tpu.memref_squeeze %dma_wait3A_123 : memref<1x64x256xf32, #tpu.memory_space<vmem>> -> memref<64x256xf32, #tpu.memory_space<vmem>>
      %dma_wait3A_125 = arith.constant 0 : i32
      %dma_wait3A_126 = tpu.memref_slice %arg4[%add3A_106, %dma_wait3A_125] : memref<8192x256xf32, #tpu.memory_space<hbm>> -> memref<64x256xf32, #tpu.memory_space<hbm>>
      %dma_wait3A_127 = arith.constant 0 : i32
      %dma_wait3A_128 = tpu.memref_slice %arg4[%add3A_106, %dma_wait3A_127] : memref<8192x256xf32, #tpu.memory_space<hbm>> -> memref<64x256xf32, #tpu.memory_space<hbm>>
      %dma_wait3A_129 = arith.constant 0 : i32
      %dma_wait3A_130 = arith.constant 0 : i32
      %dma_wait3A_131 = tpu.memref_slice %arg6[%run_scoped3A_107, %dma_wait3A_129, %dma_wait3A_130] : memref<4x64x256xf32, #tpu.memory_space<vmem>> -> memref<1x64x256xf32, #tpu.memory_space<vmem>>
      %dma_wait3A_132 = tpu.memref_squeeze %dma_wait3A_131 : memref<1x64x256xf32, #tpu.memory_space<vmem>> -> memref<64x256xf32, #tpu.memory_space<vmem>>
      tpu.wait_dma2 semaphore(%run_scoped3A_108 : memref<!tpu.dma_semaphore, #tpu.memory_space<semaphore_mem>>) src(%dma_wait3A_132 : memref<64x256xf32, #tpu.memory_space<vmem>>) dst(%dma_wait3A_128 : memref<64x256xf32, #tpu.memory_space<hbm>>)
      tpu.yield
    }) : () -> ()
    return
  }
}

module attributes {stable_mosaic.version = 14 : i64} {
  func.func @_adaptor_body(%arg0: i32, %arg1: memref<1x512x256xf32, #tpu.memory_space<vmem>>, %arg2: memref<1x512x1xf32, #tpu.memory_space<vmem>>, %arg3: memref<3x768x256xf32, #tpu.memory_space<vmem>>, %arg4: memref<3x768x256xf32, #tpu.memory_space<vmem>>, %arg5: memref<3x256x1xf32, #tpu.memory_space<vmem>>, %arg6: memref<3x6x256xf32, #tpu.memory_space<vmem>>, %arg7: memref<1x128xf32, #tpu.memory_space<vmem>>, %arg8: memref<256x256xf32, #tpu.memory_space<vmem>>, %arg9: memref<256x256xf32, #tpu.memory_space<vmem>>, %arg10: memref<1x520x256xf32, #tpu.memory_space<vmem>>, %arg11: memref<1x1x1024xi32, #tpu.memory_space<vmem>>, %arg12: memref<1x512x1xf32, #tpu.memory_space<vmem>>, %arg13: memref<1x512x1xf32, #tpu.memory_space<vmem>>, %arg14: memref<1x512x1xf32, #tpu.memory_space<vmem>>, %arg15: memref<1x512x1xf32, #tpu.memory_space<vmem>>, %arg16: memref<1x1x1xi32, #tpu.memory_space<vmem>>, %arg17: memref<1x1x1024xi32, #tpu.memory_space<vmem>>) attributes {dimension_semantics = [#tpu.dimension_semantics<parallel>], iteration_bounds = array<i64: 8>, scalar_prefetch = 0 : i64, scratch_operands = 0 : i64, tpu.core_type = #tpu.core_type<tc>, window_params = [{transform_indices = @transform_0, window_bounds = array<i64: 1, 512, 256>}, {transform_indices = @transform_1, window_bounds = array<i64: 1, 512, 1>}, {pipeline_mode = #tpu.pipeline_mode<synchronous>, transform_indices = @transform_2, window_bounds = array<i64: 3, 768, 256>}, {pipeline_mode = #tpu.pipeline_mode<synchronous>, transform_indices = @transform_3, window_bounds = array<i64: 3, 768, 256>}, {pipeline_mode = #tpu.pipeline_mode<synchronous>, transform_indices = @transform_4, window_bounds = array<i64: 3, 256, 1>}, {pipeline_mode = #tpu.pipeline_mode<synchronous>, transform_indices = @transform_5, window_bounds = array<i64: 3, 6, 256>}, {pipeline_mode = #tpu.pipeline_mode<synchronous>, transform_indices = @transform_6, window_bounds = array<i64: 1, 128>}, {pipeline_mode = #tpu.pipeline_mode<synchronous>, transform_indices = @transform_7, window_bounds = array<i64: 256, 256>}, {pipeline_mode = #tpu.pipeline_mode<synchronous>, transform_indices = @transform_8, window_bounds = array<i64: 256, 256>}, {transform_indices = @transform_9, window_bounds = array<i64: 1, 520, 256>}, {transform_indices = @transform_10, window_bounds = array<i64: 1, 1, 1024>}, {transform_indices = @transform_11, window_bounds = array<i64: 1, 512, 1>}, {transform_indices = @transform_12, window_bounds = array<i64: 1, 512, 1>}, {transform_indices = @transform_13, window_bounds = array<i64: 1, 512, 1>}, {transform_indices = @transform_14, window_bounds = array<i64: 1, 512, 1>}, {transform_indices = @transform_15, window_bounds = array<i64: 1, 1, 1>}, {transform_indices = @transform_16, window_bounds = array<i64: 1, 1, 1024>}]} {
    %get3A = arith.constant 0 : index
    %get3A_0 = arith.constant 0 : index
    %get3A_1 = arith.constant 0 : index
    %get3A_2 = vector.load %arg1[%get3A, %get3A_0, %get3A_1] : memref<1x512x256xf32, #tpu.memory_space<vmem>>, vector<1x512x256xf32>
    %get3A_3 = vector.shape_cast %get3A_2 : vector<1x512x256xf32> to vector<512x256xf32>
    %get3A_4 = arith.constant 0 : index
    %get3A_5 = arith.constant 0 : index
    %get3A_6 = arith.constant 0 : index
    %get3A_7 = vector.load %arg2[%get3A_4, %get3A_5, %get3A_6] : memref<1x512x1xf32, #tpu.memory_space<vmem>>, vector<1x512x1xf32>
    %get3A_8 = vector.shape_cast %get3A_7 : vector<1x512x1xf32> to vector<512x1xf32>
    %sub3A = arith.constant 1.000000e+00 : f32
    %sub3A_9 = vector.broadcast %sub3A : f32 to vector<512x1xf32>
    %sub3A_10 = arith.subf %sub3A_9, %get3A_8 : vector<512x1xf32>
    %get3A_11 = arith.constant 0 : index
    %get3A_12 = arith.constant 0 : index
    %get3A_13 = vector.load %arg7[%get3A_11, %get3A_12] : memref<1x128xf32, #tpu.memory_space<vmem>>, vector<1x1xf32>
    %get3A_14 = vector.extract %get3A_13[0, 0] : f32 from vector<1x1xf32>
    %get3A_15 = arith.constant 0 : index
    %get3A_16 = arith.constant 1 : index
    %get3A_17 = vector.load %arg7[%get3A_15, %get3A_16] : memref<1x128xf32, #tpu.memory_space<vmem>>, vector<1x1xf32>
    %get3A_18 = vector.extract %get3A_17[0, 0] : f32 from vector<1x1xf32>
    %get3A_19 = arith.constant 0 : index
    %get3A_20 = arith.constant 2 : index
    %get3A_21 = vector.load %arg7[%get3A_19, %get3A_20] : memref<1x128xf32, #tpu.memory_space<vmem>>, vector<1x1xf32>
    %get3A_22 = vector.extract %get3A_21[0, 0] : f32 from vector<1x1xf32>
    %iota3A = tpu.iota {dimensions = array<i32: 1>} : vector<512x256xi32>
    %convert_element_type3A = arith.sitofp %iota3A : vector<512x256xi32> to vector<512x256xf32>
    %mul3A = arith.constant 0.0314960629 : f32
    %mul3A_23 = vector.broadcast %mul3A : f32 to vector<512x256xf32>
    %mul3A_24 = arith.mulf %convert_element_type3A, %mul3A_23 : vector<512x256xf32>
    %sub3A_25 = arith.constant 4.000000e+00 : f32
    %sub3A_26 = vector.broadcast %sub3A_25 : f32 to vector<512x256xf32>
    %sub3A_27 = arith.subf %mul3A_24, %sub3A_26 : vector<512x256xf32>
    %sub3A_28 = arith.constant 2.540000e+02 : f32
    %sub3A_29 = arith.constant 5.000000e-01 : f32
    %sub3A_30 = arith.subf %sub3A_28, %sub3A_29 : f32
    %gt3A = vector.broadcast %sub3A_30 : f32 to vector<512x256xf32>
    %gt3A_31 = arith.cmpf ogt, %convert_element_type3A, %gt3A : vector<512x256xf32>
    %jit3A = arith.constant 1.000000e+30 : f32
    %broadcast_in_dim3A = vector.broadcast %jit3A : f32 to vector<512x256xf32>
    %select_n3A = arith.select %gt3A_31, %broadcast_in_dim3A, %sub3A_27 : vector<512x256xi1>, vector<512x256xf32>
    %get3A_32 = arith.constant 0 : index
    %get3A_33 = arith.constant 0 : index
    %get3A_34 = arith.constant 0 : index
    %get3A_35 = vector.load %arg3[%get3A_32, %get3A_33, %get3A_34] : memref<3x768x256xf32, #tpu.memory_space<vmem>>, vector<1x768x256xf32>
    %get3A_36 = vector.shape_cast %get3A_35 : vector<1x768x256xf32> to vector<768x256xf32>
    %get3A_37 = arith.constant 0 : index
    %get3A_38 = arith.constant 0 : index
    %get3A_39 = arith.constant 0 : index
    %get3A_40 = vector.load %arg4[%get3A_37, %get3A_38, %get3A_39] : memref<3x768x256xf32, #tpu.memory_space<vmem>>, vector<1x768x256xf32>
    %get3A_41 = vector.shape_cast %get3A_40 : vector<1x768x256xf32> to vector<768x256xf32>
    %get3A_42 = arith.constant 0 : index
    %get3A_43 = arith.constant 0 : index
    %get3A_44 = arith.constant 0 : index
    %get3A_45 = vector.load %arg5[%get3A_42, %get3A_43, %get3A_44] : memref<3x256x1xf32, #tpu.memory_space<vmem>>, vector<1x256x1xf32>
    %get3A_46 = vector.shape_cast %get3A_45 : vector<1x256x1xf32> to vector<256x1xf32>
    %get3A_47 = arith.constant 0 : index
    %get3A_48 = arith.constant 0 : index
    %get3A_49 = arith.constant 0 : index
    %get3A_50 = vector.load %arg6[%get3A_47, %get3A_48, %get3A_49] : memref<3x6x256xf32, #tpu.memory_space<vmem>>, vector<1x1x256xf32>
    %get3A_51 = vector.shape_cast %get3A_50 : vector<1x1x256xf32> to vector<1x256xf32>
    %get3A_52 = arith.constant 0 : index
    %get3A_53 = arith.constant 1 : index
    %get3A_54 = arith.constant 0 : index
    %get3A_55 = vector.load %arg6[%get3A_52, %get3A_53, %get3A_54] : memref<3x6x256xf32, #tpu.memory_space<vmem>>, vector<1x1x256xf32>
    %get3A_56 = vector.shape_cast %get3A_55 : vector<1x1x256xf32> to vector<1x256xf32>
    %get3A_57 = arith.constant 0 : index
    %get3A_58 = arith.constant 2 : index
    %get3A_59 = arith.constant 0 : index
    %get3A_60 = vector.load %arg6[%get3A_57, %get3A_58, %get3A_59] : memref<3x6x256xf32, #tpu.memory_space<vmem>>, vector<1x1x256xf32>
    %get3A_61 = vector.shape_cast %get3A_60 : vector<1x1x256xf32> to vector<1x256xf32>
    %get3A_62 = arith.constant 0 : index
    %get3A_63 = arith.constant 3 : index
    %get3A_64 = arith.constant 0 : index
    %get3A_65 = vector.load %arg6[%get3A_62, %get3A_63, %get3A_64] : memref<3x6x256xf32, #tpu.memory_space<vmem>>, vector<1x1x256xf32>
    %get3A_66 = vector.shape_cast %get3A_65 : vector<1x1x256xf32> to vector<1x256xf32>
    %get3A_67 = arith.constant 0 : index
    %get3A_68 = arith.constant 4 : index
    %get3A_69 = arith.constant 0 : index
    %get3A_70 = vector.load %arg6[%get3A_67, %get3A_68, %get3A_69] : memref<3x6x256xf32, #tpu.memory_space<vmem>>, vector<1x1x256xf32>
    %get3A_71 = vector.shape_cast %get3A_70 : vector<1x1x256xf32> to vector<1x256xf32>
    %get3A_72 = arith.constant 0 : index
    %get3A_73 = arith.constant 5 : index
    %get3A_74 = arith.constant 0 : index
    %get3A_75 = vector.load %arg6[%get3A_72, %get3A_73, %get3A_74] : memref<3x6x256xf32, #tpu.memory_space<vmem>>, vector<1x1x256xf32>
    %get3A_76 = vector.shape_cast %get3A_75 : vector<1x1x256xf32> to vector<1x256xf32>
    %get3A_77 = arith.constant 0 : index
    %get3A_78 = arith.constant 3 : index
    %get3A_79 = vector.load %arg7[%get3A_77, %get3A_78] : memref<1x128xf32, #tpu.memory_space<vmem>>, vector<1x1xf32>
    %get3A_80 = vector.extract %get3A_79[0, 0] : f32 from vector<1x1xf32>
    %convert_element_type3A_81 = arith.truncf %get3A_3 : vector<512x256xf32> to vector<512x256xbf16>
    %convert_element_type3A_82 = arith.truncf %get3A_36 : vector<768x256xf32> to vector<768x256xbf16>
    %broadcast_in_dim3A_83 = arith.constant 0.000000e+00 : bf16
    %broadcast_in_dim3A_84 = vector.broadcast %broadcast_in_dim3A_83 : bf16 to vector<1x256xbf16>
    %slice3A = vector.extract_strided_slice %convert_element_type3A_81 {offsets = [0, 0], sizes = [511, 256], strides = [1, 1]} : vector<512x256xbf16> to vector<511x256xbf16>
    %concatenate3A = tpu.concatenate %broadcast_in_dim3A_84, %slice3A in 0 : vector<1x256xbf16>, vector<511x256xbf16> -> vector<512x256xbf16>
    %slice3A_85 = vector.extract_strided_slice %convert_element_type3A_82 {offsets = [0, 0], sizes = [256, 256], strides = [1, 1]} : vector<768x256xbf16> to vector<256x256xbf16>
    %dot_general3A = arith.constant dense<0.000000e+00> : vector<512x256xf32>
    %dot_general3A_86 = tpu.matmul %concatenate3A, %slice3A_85, %dot_general3A {dimension_numbers = #tpu.dot_dimension_numbers<[1], [0], [0], [1], [0, 0, 1, 1], [], []>, transpose_lhs_hint = false} : vector<512x256xbf16>, vector<256x256xbf16>, vector<512x256xf32> -> vector<512x256xf32>
    %slice3A_87 = vector.extract_strided_slice %convert_element_type3A_82 {offsets = [256, 0], sizes = [256, 256], strides = [1, 1]} : vector<768x256xbf16> to vector<256x256xbf16>
    %dot_general3A_88 = arith.constant dense<0.000000e+00> : vector<512x256xf32>
    %dot_general3A_89 = tpu.matmul %convert_element_type3A_81, %slice3A_87, %dot_general3A_88 {dimension_numbers = #tpu.dot_dimension_numbers<[1], [0], [0], [1], [0, 0, 1, 1], [], []>, transpose_lhs_hint = false} : vector<512x256xbf16>, vector<256x256xbf16>, vector<512x256xf32> -> vector<512x256xf32>
    %broadcast_in_dim3A_90 = arith.constant 0.000000e+00 : bf16
    %broadcast_in_dim3A_91 = vector.broadcast %broadcast_in_dim3A_90 : bf16 to vector<1x256xbf16>
    %slice3A_92 = vector.extract_strided_slice %convert_element_type3A_81 {offsets = [1, 0], sizes = [511, 256], strides = [1, 1]} : vector<512x256xbf16> to vector<511x256xbf16>
    %concatenate3A_93 = tpu.concatenate %slice3A_92, %broadcast_in_dim3A_91 in 0 : vector<511x256xbf16>, vector<1x256xbf16> -> vector<512x256xbf16>
    %slice3A_94 = vector.extract_strided_slice %convert_element_type3A_82 {offsets = [512, 0], sizes = [256, 256], strides = [1, 1]} : vector<768x256xbf16> to vector<256x256xbf16>
    %dot_general3A_95 = arith.constant dense<0.000000e+00> : vector<512x256xf32>
    %dot_general3A_96 = tpu.matmul %concatenate3A_93, %slice3A_94, %dot_general3A_95 {dimension_numbers = #tpu.dot_dimension_numbers<[1], [0], [0], [1], [0, 0, 1, 1], [], []>, transpose_lhs_hint = false} : vector<512x256xbf16>, vector<256x256xbf16>, vector<512x256xf32> -> vector<512x256xf32>
    %add3A = arith.addf %dot_general3A_86, %dot_general3A_89 : vector<512x256xf32>
    %add3A_97 = arith.addf %add3A, %dot_general3A_96 : vector<512x256xf32>
    %add3A_98 = vector.broadcast %get3A_51 : vector<1x256xf32> to vector<512x256xf32>
    %add3A_99 = arith.addf %add3A_97, %add3A_98 : vector<512x256xf32>
    %max3A = arith.constant 0.000000e+00 : f32
    %max3A_100 = vector.broadcast %max3A : f32 to vector<512x256xf32>
    %max3A_101 = arith.maximumf %add3A_99, %max3A_100 : vector<512x256xf32>
    %reduce_sum3A = arith.constant dense<0.000000e+00> : vector<512xf32>
    %reduce_sum3A_102 = vector.multi_reduction <add>, %max3A_101, %reduce_sum3A [1] : vector<512x256xf32> to vector<512xf32>
    %broadcast_in_dim3A_103 = vector.shape_cast %reduce_sum3A_102 : vector<512xf32> to vector<512x1xf32>
    %div3A = arith.constant 2.560000e+02 : f32
    %div3A_104 = vector.broadcast %div3A : f32 to vector<512x1xf32>
    %div3A_105 = arith.divf %broadcast_in_dim3A_103, %div3A_104 : vector<512x1xf32>
    %jit3A_106 = arith.constant 0 : i32
    %reduce_sum3A_107 = arith.constant dense<0.000000e+00> : vector<512xf32>
    %reduce_sum3A_108 = vector.multi_reduction <add>, %max3A_101, %reduce_sum3A_107 [1] : vector<512x256xf32> to vector<512xf32>
    %broadcast_in_dim3A_109 = vector.shape_cast %reduce_sum3A_108 : vector<512xf32> to vector<512x1xf32>
    %div3A_110 = arith.constant 2.560000e+02 : f32
    %div3A_111 = vector.broadcast %div3A_110 : f32 to vector<512x1xf32>
    %div3A_112 = arith.divf %broadcast_in_dim3A_109, %div3A_111 : vector<512x1xf32>
    %sub3A_113 = vector.broadcast %div3A_112 : vector<512x1xf32> to vector<512x256xf32>
    %sub3A_114 = arith.subf %max3A_101, %sub3A_113 : vector<512x256xf32>
    %square3A = arith.mulf %sub3A_114, %sub3A_114 : vector<512x256xf32>
    %convert_element_type3A_115 = arith.sitofp %jit3A_106 : i32 to f32
    %sub3A_116 = arith.constant 2.560000e+02 : f32
    %sub3A_117 = arith.subf %sub3A_116, %convert_element_type3A_115 : f32
    %reduce_sum3A_118 = arith.constant dense<0.000000e+00> : vector<512xf32>
    %reduce_sum3A_119 = vector.multi_reduction <add>, %square3A, %reduce_sum3A_118 [1] : vector<512x256xf32> to vector<512xf32>
    %broadcast_in_dim3A_120 = vector.shape_cast %reduce_sum3A_119 : vector<512xf32> to vector<512x1xf32>
    %div3A_121 = vector.broadcast %sub3A_117 : f32 to vector<512x1xf32>
    %div3A_122 = arith.divf %broadcast_in_dim3A_120, %div3A_121 : vector<512x1xf32>
    %gt3A_123 = arith.constant 0.000000e+00 : f32
    %gt3A_124 = arith.cmpf ogt, %sub3A_117, %gt3A_123 : f32
    %jit3A_125 = arith.constant 0x7FC00000 : f32
    %broadcast_in_dim3A_126 = vector.broadcast %jit3A_125 : f32 to vector<512x1xf32>
    %select_n3A_127 = arith.select %gt3A_124, %div3A_122, %broadcast_in_dim3A_126 : vector<512x1xf32>
    %sub3A_128 = vector.broadcast %div3A_105 : vector<512x1xf32> to vector<512x256xf32>
    %sub3A_129 = arith.subf %max3A_101, %sub3A_128 : vector<512x256xf32>
    %add3A_130 = arith.constant 9.99999974E-6 : f32
    %add3A_131 = vector.broadcast %add3A_130 : f32 to vector<512x1xf32>
    %add3A_132 = arith.addf %select_n3A_127, %add3A_131 : vector<512x1xf32>
    %sqrt3A = math.sqrt %add3A_132 : vector<512x1xf32>
    %div3A_133 = vector.broadcast %sqrt3A : vector<512x1xf32> to vector<512x256xf32>
    %div3A_134 = arith.divf %sub3A_129, %div3A_133 : vector<512x256xf32>
    %mul3A_135 = vector.broadcast %get3A_56 : vector<1x256xf32> to vector<512x256xf32>
    %mul3A_136 = arith.mulf %div3A_134, %mul3A_135 : vector<512x256xf32>
    %add3A_137 = vector.broadcast %get3A_61 : vector<1x256xf32> to vector<512x256xf32>
    %add3A_138 = arith.addf %mul3A_136, %add3A_137 : vector<512x256xf32>
    %convert_element_type3A_139 = arith.truncf %add3A_138 : vector<512x256xf32> to vector<512x256xbf16>
    %convert_element_type3A_140 = arith.truncf %get3A_41 : vector<768x256xf32> to vector<768x256xbf16>
    %broadcast_in_dim3A_141 = arith.constant 0.000000e+00 : bf16
    %broadcast_in_dim3A_142 = vector.broadcast %broadcast_in_dim3A_141 : bf16 to vector<1x256xbf16>
    %slice3A_143 = vector.extract_strided_slice %convert_element_type3A_139 {offsets = [0, 0], sizes = [511, 256], strides = [1, 1]} : vector<512x256xbf16> to vector<511x256xbf16>
    %concatenate3A_144 = tpu.concatenate %broadcast_in_dim3A_142, %slice3A_143 in 0 : vector<1x256xbf16>, vector<511x256xbf16> -> vector<512x256xbf16>
    %slice3A_145 = vector.extract_strided_slice %convert_element_type3A_140 {offsets = [0, 0], sizes = [256, 256], strides = [1, 1]} : vector<768x256xbf16> to vector<256x256xbf16>
    %dot_general3A_146 = arith.constant dense<0.000000e+00> : vector<512x256xf32>
    %dot_general3A_147 = tpu.matmul %concatenate3A_144, %slice3A_145, %dot_general3A_146 {dimension_numbers = #tpu.dot_dimension_numbers<[1], [0], [0], [1], [0, 0, 1, 1], [], []>, transpose_lhs_hint = false} : vector<512x256xbf16>, vector<256x256xbf16>, vector<512x256xf32> -> vector<512x256xf32>
    %slice3A_148 = vector.extract_strided_slice %convert_element_type3A_140 {offsets = [256, 0], sizes = [256, 256], strides = [1, 1]} : vector<768x256xbf16> to vector<256x256xbf16>
    %dot_general3A_149 = arith.constant dense<0.000000e+00> : vector<512x256xf32>
    %dot_general3A_150 = tpu.matmul %convert_element_type3A_139, %slice3A_148, %dot_general3A_149 {dimension_numbers = #tpu.dot_dimension_numbers<[1], [0], [0], [1], [0, 0, 1, 1], [], []>, transpose_lhs_hint = false} : vector<512x256xbf16>, vector<256x256xbf16>, vector<512x256xf32> -> vector<512x256xf32>
    %broadcast_in_dim3A_151 = arith.constant 0.000000e+00 : bf16
    %broadcast_in_dim3A_152 = vector.broadcast %broadcast_in_dim3A_151 : bf16 to vector<1x256xbf16>
    %slice3A_153 = vector.extract_strided_slice %convert_element_type3A_139 {offsets = [1, 0], sizes = [511, 256], strides = [1, 1]} : vector<512x256xbf16> to vector<511x256xbf16>
    %concatenate3A_154 = tpu.concatenate %slice3A_153, %broadcast_in_dim3A_152 in 0 : vector<511x256xbf16>, vector<1x256xbf16> -> vector<512x256xbf16>
    %slice3A_155 = vector.extract_strided_slice %convert_element_type3A_140 {offsets = [512, 0], sizes = [256, 256], strides = [1, 1]} : vector<768x256xbf16> to vector<256x256xbf16>
    %dot_general3A_156 = arith.constant dense<0.000000e+00> : vector<512x256xf32>
    %dot_general3A_157 = tpu.matmul %concatenate3A_154, %slice3A_155, %dot_general3A_156 {dimension_numbers = #tpu.dot_dimension_numbers<[1], [0], [0], [1], [0, 0, 1, 1], [], []>, transpose_lhs_hint = false} : vector<512x256xbf16>, vector<256x256xbf16>, vector<512x256xf32> -> vector<512x256xf32>
    %add3A_158 = arith.addf %dot_general3A_147, %dot_general3A_150 : vector<512x256xf32>
    %add3A_159 = arith.addf %add3A_158, %dot_general3A_157 : vector<512x256xf32>
    %add3A_160 = vector.broadcast %get3A_66 : vector<1x256xf32> to vector<512x256xf32>
    %add3A_161 = arith.addf %add3A_159, %add3A_160 : vector<512x256xf32>
    %max3A_162 = arith.constant 0.000000e+00 : f32
    %max3A_163 = vector.broadcast %max3A_162 : f32 to vector<512x256xf32>
    %max3A_164 = arith.maximumf %add3A_161, %max3A_163 : vector<512x256xf32>
    %reduce_sum3A_165 = arith.constant dense<0.000000e+00> : vector<512xf32>
    %reduce_sum3A_166 = vector.multi_reduction <add>, %max3A_164, %reduce_sum3A_165 [1] : vector<512x256xf32> to vector<512xf32>
    %broadcast_in_dim3A_167 = vector.shape_cast %reduce_sum3A_166 : vector<512xf32> to vector<512x1xf32>
    %div3A_168 = arith.constant 2.560000e+02 : f32
    %div3A_169 = vector.broadcast %div3A_168 : f32 to vector<512x1xf32>
    %div3A_170 = arith.divf %broadcast_in_dim3A_167, %div3A_169 : vector<512x1xf32>
    %jit3A_171 = arith.constant 0 : i32
    %reduce_sum3A_172 = arith.constant dense<0.000000e+00> : vector<512xf32>
    %reduce_sum3A_173 = vector.multi_reduction <add>, %max3A_164, %reduce_sum3A_172 [1] : vector<512x256xf32> to vector<512xf32>
    %broadcast_in_dim3A_174 = vector.shape_cast %reduce_sum3A_173 : vector<512xf32> to vector<512x1xf32>
    %div3A_175 = arith.constant 2.560000e+02 : f32
    %div3A_176 = vector.broadcast %div3A_175 : f32 to vector<512x1xf32>
    %div3A_177 = arith.divf %broadcast_in_dim3A_174, %div3A_176 : vector<512x1xf32>
    %sub3A_178 = vector.broadcast %div3A_177 : vector<512x1xf32> to vector<512x256xf32>
    %sub3A_179 = arith.subf %max3A_164, %sub3A_178 : vector<512x256xf32>
    %square3A_180 = arith.mulf %sub3A_179, %sub3A_179 : vector<512x256xf32>
    %convert_element_type3A_181 = arith.sitofp %jit3A_171 : i32 to f32
    %sub3A_182 = arith.constant 2.560000e+02 : f32
    %sub3A_183 = arith.subf %sub3A_182, %convert_element_type3A_181 : f32
    %reduce_sum3A_184 = arith.constant dense<0.000000e+00> : vector<512xf32>
    %reduce_sum3A_185 = vector.multi_reduction <add>, %square3A_180, %reduce_sum3A_184 [1] : vector<512x256xf32> to vector<512xf32>
    %broadcast_in_dim3A_186 = vector.shape_cast %reduce_sum3A_185 : vector<512xf32> to vector<512x1xf32>
    %div3A_187 = vector.broadcast %sub3A_183 : f32 to vector<512x1xf32>
    %div3A_188 = arith.divf %broadcast_in_dim3A_186, %div3A_187 : vector<512x1xf32>
    %gt3A_189 = arith.constant 0.000000e+00 : f32
    %gt3A_190 = arith.cmpf ogt, %sub3A_183, %gt3A_189 : f32
    %jit3A_191 = arith.constant 0x7FC00000 : f32
    %broadcast_in_dim3A_192 = vector.broadcast %jit3A_191 : f32 to vector<512x1xf32>
    %select_n3A_193 = arith.select %gt3A_190, %div3A_188, %broadcast_in_dim3A_192 : vector<512x1xf32>
    %sub3A_194 = vector.broadcast %div3A_170 : vector<512x1xf32> to vector<512x256xf32>
    %sub3A_195 = arith.subf %max3A_164, %sub3A_194 : vector<512x256xf32>
    %add3A_196 = arith.constant 9.99999974E-6 : f32
    %add3A_197 = vector.broadcast %add3A_196 : f32 to vector<512x1xf32>
    %add3A_198 = arith.addf %select_n3A_193, %add3A_197 : vector<512x1xf32>
    %sqrt3A_199 = math.sqrt %add3A_198 : vector<512x1xf32>
    %div3A_200 = vector.broadcast %sqrt3A_199 : vector<512x1xf32> to vector<512x256xf32>
    %div3A_201 = arith.divf %sub3A_195, %div3A_200 : vector<512x256xf32>
    %mul3A_202 = vector.broadcast %get3A_71 : vector<1x256xf32> to vector<512x256xf32>
    %mul3A_203 = arith.mulf %div3A_201, %mul3A_202 : vector<512x256xf32>
    %add3A_204 = vector.broadcast %get3A_76 : vector<1x256xf32> to vector<512x256xf32>
    %add3A_205 = arith.addf %mul3A_203, %add3A_204 : vector<512x256xf32>
    %convert_element_type3A_206 = arith.truncf %add3A_205 : vector<512x256xf32> to vector<512x256xbf16>
    %convert_element_type3A_207 = arith.truncf %get3A_46 : vector<256x1xf32> to vector<256x1xbf16>
    %dot_general3A_208 = arith.constant dense<0.000000e+00> : vector<512x1xf32>
    %dot_general3A_209 = tpu.matmul %convert_element_type3A_206, %convert_element_type3A_207, %dot_general3A_208 {dimension_numbers = #tpu.dot_dimension_numbers<[1], [0], [0], [1], [0, 0, 1, 1], [], []>, transpose_lhs_hint = false} : vector<512x256xbf16>, vector<256x1xbf16>, vector<512x1xf32> -> vector<512x1xf32>
    %add3A_210 = vector.broadcast %get3A_80 : f32 to vector<512x1xf32>
    %add3A_211 = arith.addf %dot_general3A_209, %add3A_210 : vector<512x1xf32>
    %mul3A_212 = arith.mulf %add3A_211, %sub3A_10 : vector<512x1xf32>
    %get3A_213 = arith.constant 1 : index
    %get3A_214 = arith.constant 0 : index
    %get3A_215 = arith.constant 0 : index
    %get3A_216 = vector.load %arg3[%get3A_213, %get3A_214, %get3A_215] : memref<3x768x256xf32, #tpu.memory_space<vmem>>, vector<1x768x256xf32>
    %get3A_217 = vector.shape_cast %get3A_216 : vector<1x768x256xf32> to vector<768x256xf32>
    %get3A_218 = arith.constant 1 : index
    %get3A_219 = arith.constant 0 : index
    %get3A_220 = arith.constant 0 : index
    %get3A_221 = vector.load %arg4[%get3A_218, %get3A_219, %get3A_220] : memref<3x768x256xf32, #tpu.memory_space<vmem>>, vector<1x768x256xf32>
    %get3A_222 = vector.shape_cast %get3A_221 : vector<1x768x256xf32> to vector<768x256xf32>
    %get3A_223 = arith.constant 1 : index
    %get3A_224 = arith.constant 0 : index
    %get3A_225 = arith.constant 0 : index
    %get3A_226 = vector.load %arg5[%get3A_223, %get3A_224, %get3A_225] : memref<3x256x1xf32, #tpu.memory_space<vmem>>, vector<1x256x1xf32>
    %get3A_227 = vector.shape_cast %get3A_226 : vector<1x256x1xf32> to vector<256x1xf32>
    %get3A_228 = arith.constant 1 : index
    %get3A_229 = arith.constant 0 : index
    %get3A_230 = arith.constant 0 : index
    %get3A_231 = vector.load %arg6[%get3A_228, %get3A_229, %get3A_230] : memref<3x6x256xf32, #tpu.memory_space<vmem>>, vector<1x1x256xf32>
    %get3A_232 = vector.shape_cast %get3A_231 : vector<1x1x256xf32> to vector<1x256xf32>
    %get3A_233 = arith.constant 1 : index
    %get3A_234 = arith.constant 1 : index
    %get3A_235 = arith.constant 0 : index
    %get3A_236 = vector.load %arg6[%get3A_233, %get3A_234, %get3A_235] : memref<3x6x256xf32, #tpu.memory_space<vmem>>, vector<1x1x256xf32>
    %get3A_237 = vector.shape_cast %get3A_236 : vector<1x1x256xf32> to vector<1x256xf32>
    %get3A_238 = arith.constant 1 : index
    %get3A_239 = arith.constant 2 : index
    %get3A_240 = arith.constant 0 : index
    %get3A_241 = vector.load %arg6[%get3A_238, %get3A_239, %get3A_240] : memref<3x6x256xf32, #tpu.memory_space<vmem>>, vector<1x1x256xf32>
    %get3A_242 = vector.shape_cast %get3A_241 : vector<1x1x256xf32> to vector<1x256xf32>
    %get3A_243 = arith.constant 1 : index
    %get3A_244 = arith.constant 3 : index
    %get3A_245 = arith.constant 0 : index
    %get3A_246 = vector.load %arg6[%get3A_243, %get3A_244, %get3A_245] : memref<3x6x256xf32, #tpu.memory_space<vmem>>, vector<1x1x256xf32>
    %get3A_247 = vector.shape_cast %get3A_246 : vector<1x1x256xf32> to vector<1x256xf32>
    %get3A_248 = arith.constant 1 : index
    %get3A_249 = arith.constant 4 : index
    %get3A_250 = arith.constant 0 : index
    %get3A_251 = vector.load %arg6[%get3A_248, %get3A_249, %get3A_250] : memref<3x6x256xf32, #tpu.memory_space<vmem>>, vector<1x1x256xf32>
    %get3A_252 = vector.shape_cast %get3A_251 : vector<1x1x256xf32> to vector<1x256xf32>
    %get3A_253 = arith.constant 1 : index
    %get3A_254 = arith.constant 5 : index
    %get3A_255 = arith.constant 0 : index
    %get3A_256 = vector.load %arg6[%get3A_253, %get3A_254, %get3A_255] : memref<3x6x256xf32, #tpu.memory_space<vmem>>, vector<1x1x256xf32>
    %get3A_257 = vector.shape_cast %get3A_256 : vector<1x1x256xf32> to vector<1x256xf32>
    %get3A_258 = arith.constant 0 : index
    %get3A_259 = arith.constant 4 : index
    %get3A_260 = vector.load %arg7[%get3A_258, %get3A_259] : memref<1x128xf32, #tpu.memory_space<vmem>>, vector<1x1xf32>
    %get3A_261 = vector.extract %get3A_260[0, 0] : f32 from vector<1x1xf32>
    %convert_element_type3A_262 = arith.truncf %get3A_3 : vector<512x256xf32> to vector<512x256xbf16>
    %convert_element_type3A_263 = arith.truncf %get3A_217 : vector<768x256xf32> to vector<768x256xbf16>
    %broadcast_in_dim3A_264 = arith.constant 0.000000e+00 : bf16
    %broadcast_in_dim3A_265 = vector.broadcast %broadcast_in_dim3A_264 : bf16 to vector<1x256xbf16>
    %slice3A_266 = vector.extract_strided_slice %convert_element_type3A_262 {offsets = [0, 0], sizes = [511, 256], strides = [1, 1]} : vector<512x256xbf16> to vector<511x256xbf16>
    %concatenate3A_267 = tpu.concatenate %broadcast_in_dim3A_265, %slice3A_266 in 0 : vector<1x256xbf16>, vector<511x256xbf16> -> vector<512x256xbf16>
    %slice3A_268 = vector.extract_strided_slice %convert_element_type3A_263 {offsets = [0, 0], sizes = [256, 256], strides = [1, 1]} : vector<768x256xbf16> to vector<256x256xbf16>
    %dot_general3A_269 = arith.constant dense<0.000000e+00> : vector<512x256xf32>
    %dot_general3A_270 = tpu.matmul %concatenate3A_267, %slice3A_268, %dot_general3A_269 {dimension_numbers = #tpu.dot_dimension_numbers<[1], [0], [0], [1], [0, 0, 1, 1], [], []>, transpose_lhs_hint = false} : vector<512x256xbf16>, vector<256x256xbf16>, vector<512x256xf32> -> vector<512x256xf32>
    %slice3A_271 = vector.extract_strided_slice %convert_element_type3A_263 {offsets = [256, 0], sizes = [256, 256], strides = [1, 1]} : vector<768x256xbf16> to vector<256x256xbf16>
    %dot_general3A_272 = arith.constant dense<0.000000e+00> : vector<512x256xf32>
    %dot_general3A_273 = tpu.matmul %convert_element_type3A_262, %slice3A_271, %dot_general3A_272 {dimension_numbers = #tpu.dot_dimension_numbers<[1], [0], [0], [1], [0, 0, 1, 1], [], []>, transpose_lhs_hint = false} : vector<512x256xbf16>, vector<256x256xbf16>, vector<512x256xf32> -> vector<512x256xf32>
    %broadcast_in_dim3A_274 = arith.constant 0.000000e+00 : bf16
    %broadcast_in_dim3A_275 = vector.broadcast %broadcast_in_dim3A_274 : bf16 to vector<1x256xbf16>
    %slice3A_276 = vector.extract_strided_slice %convert_element_type3A_262 {offsets = [1, 0], sizes = [511, 256], strides = [1, 1]} : vector<512x256xbf16> to vector<511x256xbf16>
    %concatenate3A_277 = tpu.concatenate %slice3A_276, %broadcast_in_dim3A_275 in 0 : vector<511x256xbf16>, vector<1x256xbf16> -> vector<512x256xbf16>
    %slice3A_278 = vector.extract_strided_slice %convert_element_type3A_263 {offsets = [512, 0], sizes = [256, 256], strides = [1, 1]} : vector<768x256xbf16> to vector<256x256xbf16>
    %dot_general3A_279 = arith.constant dense<0.000000e+00> : vector<512x256xf32>
    %dot_general3A_280 = tpu.matmul %concatenate3A_277, %slice3A_278, %dot_general3A_279 {dimension_numbers = #tpu.dot_dimension_numbers<[1], [0], [0], [1], [0, 0, 1, 1], [], []>, transpose_lhs_hint = false} : vector<512x256xbf16>, vector<256x256xbf16>, vector<512x256xf32> -> vector<512x256xf32>
    %add3A_281 = arith.addf %dot_general3A_270, %dot_general3A_273 : vector<512x256xf32>
    %add3A_282 = arith.addf %add3A_281, %dot_general3A_280 : vector<512x256xf32>
    %add3A_283 = vector.broadcast %get3A_232 : vector<1x256xf32> to vector<512x256xf32>
    %add3A_284 = arith.addf %add3A_282, %add3A_283 : vector<512x256xf32>
    %max3A_285 = arith.constant 0.000000e+00 : f32
    %max3A_286 = vector.broadcast %max3A_285 : f32 to vector<512x256xf32>
    %max3A_287 = arith.maximumf %add3A_284, %max3A_286 : vector<512x256xf32>
    %reduce_sum3A_288 = arith.constant dense<0.000000e+00> : vector<512xf32>
    %reduce_sum3A_289 = vector.multi_reduction <add>, %max3A_287, %reduce_sum3A_288 [1] : vector<512x256xf32> to vector<512xf32>
    %broadcast_in_dim3A_290 = vector.shape_cast %reduce_sum3A_289 : vector<512xf32> to vector<512x1xf32>
    %div3A_291 = arith.constant 2.560000e+02 : f32
    %div3A_292 = vector.broadcast %div3A_291 : f32 to vector<512x1xf32>
    %div3A_293 = arith.divf %broadcast_in_dim3A_290, %div3A_292 : vector<512x1xf32>
    %jit3A_294 = arith.constant 0 : i32
    %reduce_sum3A_295 = arith.constant dense<0.000000e+00> : vector<512xf32>
    %reduce_sum3A_296 = vector.multi_reduction <add>, %max3A_287, %reduce_sum3A_295 [1] : vector<512x256xf32> to vector<512xf32>
    %broadcast_in_dim3A_297 = vector.shape_cast %reduce_sum3A_296 : vector<512xf32> to vector<512x1xf32>
    %div3A_298 = arith.constant 2.560000e+02 : f32
    %div3A_299 = vector.broadcast %div3A_298 : f32 to vector<512x1xf32>
    %div3A_300 = arith.divf %broadcast_in_dim3A_297, %div3A_299 : vector<512x1xf32>
    %sub3A_301 = vector.broadcast %div3A_300 : vector<512x1xf32> to vector<512x256xf32>
    %sub3A_302 = arith.subf %max3A_287, %sub3A_301 : vector<512x256xf32>
    %square3A_303 = arith.mulf %sub3A_302, %sub3A_302 : vector<512x256xf32>
    %convert_element_type3A_304 = arith.sitofp %jit3A_294 : i32 to f32
    %sub3A_305 = arith.constant 2.560000e+02 : f32
    %sub3A_306 = arith.subf %sub3A_305, %convert_element_type3A_304 : f32
    %reduce_sum3A_307 = arith.constant dense<0.000000e+00> : vector<512xf32>
    %reduce_sum3A_308 = vector.multi_reduction <add>, %square3A_303, %reduce_sum3A_307 [1] : vector<512x256xf32> to vector<512xf32>
    %broadcast_in_dim3A_309 = vector.shape_cast %reduce_sum3A_308 : vector<512xf32> to vector<512x1xf32>
    %div3A_310 = vector.broadcast %sub3A_306 : f32 to vector<512x1xf32>
    %div3A_311 = arith.divf %broadcast_in_dim3A_309, %div3A_310 : vector<512x1xf32>
    %gt3A_312 = arith.constant 0.000000e+00 : f32
    %gt3A_313 = arith.cmpf ogt, %sub3A_306, %gt3A_312 : f32
    %jit3A_314 = arith.constant 0x7FC00000 : f32
    %broadcast_in_dim3A_315 = vector.broadcast %jit3A_314 : f32 to vector<512x1xf32>
    %select_n3A_316 = arith.select %gt3A_313, %div3A_311, %broadcast_in_dim3A_315 : vector<512x1xf32>
    %sub3A_317 = vector.broadcast %div3A_293 : vector<512x1xf32> to vector<512x256xf32>
    %sub3A_318 = arith.subf %max3A_287, %sub3A_317 : vector<512x256xf32>
    %add3A_319 = arith.constant 9.99999974E-6 : f32
    %add3A_320 = vector.broadcast %add3A_319 : f32 to vector<512x1xf32>
    %add3A_321 = arith.addf %select_n3A_316, %add3A_320 : vector<512x1xf32>
    %sqrt3A_322 = math.sqrt %add3A_321 : vector<512x1xf32>
    %div3A_323 = vector.broadcast %sqrt3A_322 : vector<512x1xf32> to vector<512x256xf32>
    %div3A_324 = arith.divf %sub3A_318, %div3A_323 : vector<512x256xf32>
    %mul3A_325 = vector.broadcast %get3A_237 : vector<1x256xf32> to vector<512x256xf32>
    %mul3A_326 = arith.mulf %div3A_324, %mul3A_325 : vector<512x256xf32>
    %add3A_327 = vector.broadcast %get3A_242 : vector<1x256xf32> to vector<512x256xf32>
    %add3A_328 = arith.addf %mul3A_326, %add3A_327 : vector<512x256xf32>
    %convert_element_type3A_329 = arith.truncf %add3A_328 : vector<512x256xf32> to vector<512x256xbf16>
    %convert_element_type3A_330 = arith.truncf %get3A_222 : vector<768x256xf32> to vector<768x256xbf16>
    %broadcast_in_dim3A_331 = arith.constant 0.000000e+00 : bf16
    %broadcast_in_dim3A_332 = vector.broadcast %broadcast_in_dim3A_331 : bf16 to vector<1x256xbf16>
    %slice3A_333 = vector.extract_strided_slice %convert_element_type3A_329 {offsets = [0, 0], sizes = [511, 256], strides = [1, 1]} : vector<512x256xbf16> to vector<511x256xbf16>
    %concatenate3A_334 = tpu.concatenate %broadcast_in_dim3A_332, %slice3A_333 in 0 : vector<1x256xbf16>, vector<511x256xbf16> -> vector<512x256xbf16>
    %slice3A_335 = vector.extract_strided_slice %convert_element_type3A_330 {offsets = [0, 0], sizes = [256, 256], strides = [1, 1]} : vector<768x256xbf16> to vector<256x256xbf16>
    %dot_general3A_336 = arith.constant dense<0.000000e+00> : vector<512x256xf32>
    %dot_general3A_337 = tpu.matmul %concatenate3A_334, %slice3A_335, %dot_general3A_336 {dimension_numbers = #tpu.dot_dimension_numbers<[1], [0], [0], [1], [0, 0, 1, 1], [], []>, transpose_lhs_hint = false} : vector<512x256xbf16>, vector<256x256xbf16>, vector<512x256xf32> -> vector<512x256xf32>
    %slice3A_338 = vector.extract_strided_slice %convert_element_type3A_330 {offsets = [256, 0], sizes = [256, 256], strides = [1, 1]} : vector<768x256xbf16> to vector<256x256xbf16>
    %dot_general3A_339 = arith.constant dense<0.000000e+00> : vector<512x256xf32>
    %dot_general3A_340 = tpu.matmul %convert_element_type3A_329, %slice3A_338, %dot_general3A_339 {dimension_numbers = #tpu.dot_dimension_numbers<[1], [0], [0], [1], [0, 0, 1, 1], [], []>, transpose_lhs_hint = false} : vector<512x256xbf16>, vector<256x256xbf16>, vector<512x256xf32> -> vector<512x256xf32>
    %broadcast_in_dim3A_341 = arith.constant 0.000000e+00 : bf16
    %broadcast_in_dim3A_342 = vector.broadcast %broadcast_in_dim3A_341 : bf16 to vector<1x256xbf16>
    %slice3A_343 = vector.extract_strided_slice %convert_element_type3A_329 {offsets = [1, 0], sizes = [511, 256], strides = [1, 1]} : vector<512x256xbf16> to vector<511x256xbf16>
    %concatenate3A_344 = tpu.concatenate %slice3A_343, %broadcast_in_dim3A_342 in 0 : vector<511x256xbf16>, vector<1x256xbf16> -> vector<512x256xbf16>
    %slice3A_345 = vector.extract_strided_slice %convert_element_type3A_330 {offsets = [512, 0], sizes = [256, 256], strides = [1, 1]} : vector<768x256xbf16> to vector<256x256xbf16>
    %dot_general3A_346 = arith.constant dense<0.000000e+00> : vector<512x256xf32>
    %dot_general3A_347 = tpu.matmul %concatenate3A_344, %slice3A_345, %dot_general3A_346 {dimension_numbers = #tpu.dot_dimension_numbers<[1], [0], [0], [1], [0, 0, 1, 1], [], []>, transpose_lhs_hint = false} : vector<512x256xbf16>, vector<256x256xbf16>, vector<512x256xf32> -> vector<512x256xf32>
    %add3A_348 = arith.addf %dot_general3A_337, %dot_general3A_340 : vector<512x256xf32>
    %add3A_349 = arith.addf %add3A_348, %dot_general3A_347 : vector<512x256xf32>
    %add3A_350 = vector.broadcast %get3A_247 : vector<1x256xf32> to vector<512x256xf32>
    %add3A_351 = arith.addf %add3A_349, %add3A_350 : vector<512x256xf32>
    %max3A_352 = arith.constant 0.000000e+00 : f32
    %max3A_353 = vector.broadcast %max3A_352 : f32 to vector<512x256xf32>
    %max3A_354 = arith.maximumf %add3A_351, %max3A_353 : vector<512x256xf32>
    %reduce_sum3A_355 = arith.constant dense<0.000000e+00> : vector<512xf32>
    %reduce_sum3A_356 = vector.multi_reduction <add>, %max3A_354, %reduce_sum3A_355 [1] : vector<512x256xf32> to vector<512xf32>
    %broadcast_in_dim3A_357 = vector.shape_cast %reduce_sum3A_356 : vector<512xf32> to vector<512x1xf32>
    %div3A_358 = arith.constant 2.560000e+02 : f32
    %div3A_359 = vector.broadcast %div3A_358 : f32 to vector<512x1xf32>
    %div3A_360 = arith.divf %broadcast_in_dim3A_357, %div3A_359 : vector<512x1xf32>
    %jit3A_361 = arith.constant 0 : i32
    %reduce_sum3A_362 = arith.constant dense<0.000000e+00> : vector<512xf32>
    %reduce_sum3A_363 = vector.multi_reduction <add>, %max3A_354, %reduce_sum3A_362 [1] : vector<512x256xf32> to vector<512xf32>
    %broadcast_in_dim3A_364 = vector.shape_cast %reduce_sum3A_363 : vector<512xf32> to vector<512x1xf32>
    %div3A_365 = arith.constant 2.560000e+02 : f32
    %div3A_366 = vector.broadcast %div3A_365 : f32 to vector<512x1xf32>
    %div3A_367 = arith.divf %broadcast_in_dim3A_364, %div3A_366 : vector<512x1xf32>
    %sub3A_368 = vector.broadcast %div3A_367 : vector<512x1xf32> to vector<512x256xf32>
    %sub3A_369 = arith.subf %max3A_354, %sub3A_368 : vector<512x256xf32>
    %square3A_370 = arith.mulf %sub3A_369, %sub3A_369 : vector<512x256xf32>
    %convert_element_type3A_371 = arith.sitofp %jit3A_361 : i32 to f32
    %sub3A_372 = arith.constant 2.560000e+02 : f32
    %sub3A_373 = arith.subf %sub3A_372, %convert_element_type3A_371 : f32
    %reduce_sum3A_374 = arith.constant dense<0.000000e+00> : vector<512xf32>
    %reduce_sum3A_375 = vector.multi_reduction <add>, %square3A_370, %reduce_sum3A_374 [1] : vector<512x256xf32> to vector<512xf32>
    %broadcast_in_dim3A_376 = vector.shape_cast %reduce_sum3A_375 : vector<512xf32> to vector<512x1xf32>
    %div3A_377 = vector.broadcast %sub3A_373 : f32 to vector<512x1xf32>
    %div3A_378 = arith.divf %broadcast_in_dim3A_376, %div3A_377 : vector<512x1xf32>
    %gt3A_379 = arith.constant 0.000000e+00 : f32
    %gt3A_380 = arith.cmpf ogt, %sub3A_373, %gt3A_379 : f32
    %jit3A_381 = arith.constant 0x7FC00000 : f32
    %broadcast_in_dim3A_382 = vector.broadcast %jit3A_381 : f32 to vector<512x1xf32>
    %select_n3A_383 = arith.select %gt3A_380, %div3A_378, %broadcast_in_dim3A_382 : vector<512x1xf32>
    %sub3A_384 = vector.broadcast %div3A_360 : vector<512x1xf32> to vector<512x256xf32>
    %sub3A_385 = arith.subf %max3A_354, %sub3A_384 : vector<512x256xf32>
    %add3A_386 = arith.constant 9.99999974E-6 : f32
    %add3A_387 = vector.broadcast %add3A_386 : f32 to vector<512x1xf32>
    %add3A_388 = arith.addf %select_n3A_383, %add3A_387 : vector<512x1xf32>
    %sqrt3A_389 = math.sqrt %add3A_388 : vector<512x1xf32>
    %div3A_390 = vector.broadcast %sqrt3A_389 : vector<512x1xf32> to vector<512x256xf32>
    %div3A_391 = arith.divf %sub3A_385, %div3A_390 : vector<512x256xf32>
    %mul3A_392 = vector.broadcast %get3A_252 : vector<1x256xf32> to vector<512x256xf32>
    %mul3A_393 = arith.mulf %div3A_391, %mul3A_392 : vector<512x256xf32>
    %add3A_394 = vector.broadcast %get3A_257 : vector<1x256xf32> to vector<512x256xf32>
    %add3A_395 = arith.addf %mul3A_393, %add3A_394 : vector<512x256xf32>
    %convert_element_type3A_396 = arith.truncf %add3A_395 : vector<512x256xf32> to vector<512x256xbf16>
    %convert_element_type3A_397 = arith.truncf %get3A_227 : vector<256x1xf32> to vector<256x1xbf16>
    %dot_general3A_398 = arith.constant dense<0.000000e+00> : vector<512x1xf32>
    %dot_general3A_399 = tpu.matmul %convert_element_type3A_396, %convert_element_type3A_397, %dot_general3A_398 {dimension_numbers = #tpu.dot_dimension_numbers<[1], [0], [0], [1], [0, 0, 1, 1], [], []>, transpose_lhs_hint = false} : vector<512x256xbf16>, vector<256x1xbf16>, vector<512x1xf32> -> vector<512x1xf32>
    %add3A_400 = vector.broadcast %get3A_261 : f32 to vector<512x1xf32>
    %add3A_401 = arith.addf %dot_general3A_399, %add3A_400 : vector<512x1xf32>
    %mul3A_402 = arith.mulf %add3A_401, %sub3A_10 : vector<512x1xf32>
    %mul3A_403 = vector.broadcast %get3A_14 : f32 to vector<512x1xf32>
    %mul3A_404 = arith.mulf %mul3A_402, %mul3A_403 : vector<512x1xf32>
    %lt3A = vector.broadcast %mul3A_404 : vector<512x1xf32> to vector<512x256xf32>
    %lt3A_405 = arith.cmpf olt, %select_n3A, %lt3A : vector<512x256xf32>
    %convert_element_type3A_406 = arith.extui %lt3A_405 : vector<512x256xi1> to vector<512x256xi32>
    %convert_element_type3A_407 = arith.sitofp %convert_element_type3A_406 : vector<512x256xi32> to vector<512x256xf32>
    %reduce_sum3A_408 = arith.constant dense<0.000000e+00> : vector<512xf32>
    %reduce_sum3A_409 = vector.multi_reduction <add>, %convert_element_type3A_407, %reduce_sum3A_408 [1] : vector<512x256xf32> to vector<512xf32>
    %broadcast_in_dim3A_410 = vector.shape_cast %reduce_sum3A_409 : vector<512xf32> to vector<512x1xf32>
    %eq3A = vector.broadcast %broadcast_in_dim3A_410 : vector<512x1xf32> to vector<512x256xf32>
    %eq3A_411 = arith.cmpf oeq, %convert_element_type3A, %eq3A : vector<512x256xf32>
    %convert_element_type3A_412 = arith.extui %eq3A_411 : vector<512x256xi1> to vector<512x256xi32>
    %convert_element_type3A_413 = arith.sitofp %convert_element_type3A_412 : vector<512x256xi32> to vector<512x256xf32>
    %get3A_414 = arith.constant 0 : index
    %get3A_415 = arith.constant 0 : index
    %get3A_416 = vector.load %arg8[%get3A_414, %get3A_415] : memref<256x256xf32, #tpu.memory_space<vmem>>, vector<256x256xf32>
    %dot_general3A_417 = arith.constant dense<0.000000e+00> : vector<512x256xf32>
    %dot_general3A_418 = tpu.matmul %convert_element_type3A_413, %get3A_416, %dot_general3A_417 {dimension_numbers = #tpu.dot_dimension_numbers<[1], [0], [0], [1], [0, 0, 1, 1], [], []>, precision = #tpu.contract_precision<fp32>, transpose_lhs_hint = false} : vector<512x256xf32>, vector<256x256xf32>, vector<512x256xf32> -> vector<512x256xf32>
    %add3A_419 = arith.addf %get3A_3, %dot_general3A_418 : vector<512x256xf32>
    %get3A_420 = arith.constant 2 : index
    %get3A_421 = arith.constant 0 : index
    %get3A_422 = arith.constant 0 : index
    %get3A_423 = vector.load %arg3[%get3A_420, %get3A_421, %get3A_422] : memref<3x768x256xf32, #tpu.memory_space<vmem>>, vector<1x768x256xf32>
    %get3A_424 = vector.shape_cast %get3A_423 : vector<1x768x256xf32> to vector<768x256xf32>
    %get3A_425 = arith.constant 2 : index
    %get3A_426 = arith.constant 0 : index
    %get3A_427 = arith.constant 0 : index
    %get3A_428 = vector.load %arg4[%get3A_425, %get3A_426, %get3A_427] : memref<3x768x256xf32, #tpu.memory_space<vmem>>, vector<1x768x256xf32>
    %get3A_429 = vector.shape_cast %get3A_428 : vector<1x768x256xf32> to vector<768x256xf32>
    %get3A_430 = arith.constant 2 : index
    %get3A_431 = arith.constant 0 : index
    %get3A_432 = arith.constant 0 : index
    %get3A_433 = vector.load %arg5[%get3A_430, %get3A_431, %get3A_432] : memref<3x256x1xf32, #tpu.memory_space<vmem>>, vector<1x256x1xf32>
    %get3A_434 = vector.shape_cast %get3A_433 : vector<1x256x1xf32> to vector<256x1xf32>
    %get3A_435 = arith.constant 2 : index
    %get3A_436 = arith.constant 0 : index
    %get3A_437 = arith.constant 0 : index
    %get3A_438 = vector.load %arg6[%get3A_435, %get3A_436, %get3A_437] : memref<3x6x256xf32, #tpu.memory_space<vmem>>, vector<1x1x256xf32>
    %get3A_439 = vector.shape_cast %get3A_438 : vector<1x1x256xf32> to vector<1x256xf32>
    %get3A_440 = arith.constant 2 : index
    %get3A_441 = arith.constant 1 : index
    %get3A_442 = arith.constant 0 : index
    %get3A_443 = vector.load %arg6[%get3A_440, %get3A_441, %get3A_442] : memref<3x6x256xf32, #tpu.memory_space<vmem>>, vector<1x1x256xf32>
    %get3A_444 = vector.shape_cast %get3A_443 : vector<1x1x256xf32> to vector<1x256xf32>
    %get3A_445 = arith.constant 2 : index
    %get3A_446 = arith.constant 2 : index
    %get3A_447 = arith.constant 0 : index
    %get3A_448 = vector.load %arg6[%get3A_445, %get3A_446, %get3A_447] : memref<3x6x256xf32, #tpu.memory_space<vmem>>, vector<1x1x256xf32>
    %get3A_449 = vector.shape_cast %get3A_448 : vector<1x1x256xf32> to vector<1x256xf32>
    %get3A_450 = arith.constant 2 : index
    %get3A_451 = arith.constant 3 : index
    %get3A_452 = arith.constant 0 : index
    %get3A_453 = vector.load %arg6[%get3A_450, %get3A_451, %get3A_452] : memref<3x6x256xf32, #tpu.memory_space<vmem>>, vector<1x1x256xf32>
    %get3A_454 = vector.shape_cast %get3A_453 : vector<1x1x256xf32> to vector<1x256xf32>
    %get3A_455 = arith.constant 2 : index
    %get3A_456 = arith.constant 4 : index
    %get3A_457 = arith.constant 0 : index
    %get3A_458 = vector.load %arg6[%get3A_455, %get3A_456, %get3A_457] : memref<3x6x256xf32, #tpu.memory_space<vmem>>, vector<1x1x256xf32>
    %get3A_459 = vector.shape_cast %get3A_458 : vector<1x1x256xf32> to vector<1x256xf32>
    %get3A_460 = arith.constant 2 : index
    %get3A_461 = arith.constant 5 : index
    %get3A_462 = arith.constant 0 : index
    %get3A_463 = vector.load %arg6[%get3A_460, %get3A_461, %get3A_462] : memref<3x6x256xf32, #tpu.memory_space<vmem>>, vector<1x1x256xf32>
    %get3A_464 = vector.shape_cast %get3A_463 : vector<1x1x256xf32> to vector<1x256xf32>
    %get3A_465 = arith.constant 0 : index
    %get3A_466 = arith.constant 5 : index
    %get3A_467 = vector.load %arg7[%get3A_465, %get3A_466] : memref<1x128xf32, #tpu.memory_space<vmem>>, vector<1x1xf32>
    %get3A_468 = vector.extract %get3A_467[0, 0] : f32 from vector<1x1xf32>
    %convert_element_type3A_469 = arith.truncf %add3A_419 : vector<512x256xf32> to vector<512x256xbf16>
    %convert_element_type3A_470 = arith.truncf %get3A_424 : vector<768x256xf32> to vector<768x256xbf16>
    %broadcast_in_dim3A_471 = arith.constant 0.000000e+00 : bf16
    %broadcast_in_dim3A_472 = vector.broadcast %broadcast_in_dim3A_471 : bf16 to vector<1x256xbf16>
    %slice3A_473 = vector.extract_strided_slice %convert_element_type3A_469 {offsets = [0, 0], sizes = [511, 256], strides = [1, 1]} : vector<512x256xbf16> to vector<511x256xbf16>
    %concatenate3A_474 = tpu.concatenate %broadcast_in_dim3A_472, %slice3A_473 in 0 : vector<1x256xbf16>, vector<511x256xbf16> -> vector<512x256xbf16>
    %slice3A_475 = vector.extract_strided_slice %convert_element_type3A_470 {offsets = [0, 0], sizes = [256, 256], strides = [1, 1]} : vector<768x256xbf16> to vector<256x256xbf16>
    %dot_general3A_476 = arith.constant dense<0.000000e+00> : vector<512x256xf32>
    %dot_general3A_477 = tpu.matmul %concatenate3A_474, %slice3A_475, %dot_general3A_476 {dimension_numbers = #tpu.dot_dimension_numbers<[1], [0], [0], [1], [0, 0, 1, 1], [], []>, transpose_lhs_hint = false} : vector<512x256xbf16>, vector<256x256xbf16>, vector<512x256xf32> -> vector<512x256xf32>
    %slice3A_478 = vector.extract_strided_slice %convert_element_type3A_470 {offsets = [256, 0], sizes = [256, 256], strides = [1, 1]} : vector<768x256xbf16> to vector<256x256xbf16>
    %dot_general3A_479 = arith.constant dense<0.000000e+00> : vector<512x256xf32>
    %dot_general3A_480 = tpu.matmul %convert_element_type3A_469, %slice3A_478, %dot_general3A_479 {dimension_numbers = #tpu.dot_dimension_numbers<[1], [0], [0], [1], [0, 0, 1, 1], [], []>, transpose_lhs_hint = false} : vector<512x256xbf16>, vector<256x256xbf16>, vector<512x256xf32> -> vector<512x256xf32>
    %broadcast_in_dim3A_481 = arith.constant 0.000000e+00 : bf16
    %broadcast_in_dim3A_482 = vector.broadcast %broadcast_in_dim3A_481 : bf16 to vector<1x256xbf16>
    %slice3A_483 = vector.extract_strided_slice %convert_element_type3A_469 {offsets = [1, 0], sizes = [511, 256], strides = [1, 1]} : vector<512x256xbf16> to vector<511x256xbf16>
    %concatenate3A_484 = tpu.concatenate %slice3A_483, %broadcast_in_dim3A_482 in 0 : vector<511x256xbf16>, vector<1x256xbf16> -> vector<512x256xbf16>
    %slice3A_485 = vector.extract_strided_slice %convert_element_type3A_470 {offsets = [512, 0], sizes = [256, 256], strides = [1, 1]} : vector<768x256xbf16> to vector<256x256xbf16>
    %dot_general3A_486 = arith.constant dense<0.000000e+00> : vector<512x256xf32>
    %dot_general3A_487 = tpu.matmul %concatenate3A_484, %slice3A_485, %dot_general3A_486 {dimension_numbers = #tpu.dot_dimension_numbers<[1], [0], [0], [1], [0, 0, 1, 1], [], []>, transpose_lhs_hint = false} : vector<512x256xbf16>, vector<256x256xbf16>, vector<512x256xf32> -> vector<512x256xf32>
    %add3A_488 = arith.addf %dot_general3A_477, %dot_general3A_480 : vector<512x256xf32>
    %add3A_489 = arith.addf %add3A_488, %dot_general3A_487 : vector<512x256xf32>
    %add3A_490 = vector.broadcast %get3A_439 : vector<1x256xf32> to vector<512x256xf32>
    %add3A_491 = arith.addf %add3A_489, %add3A_490 : vector<512x256xf32>
    %max3A_492 = arith.constant 0.000000e+00 : f32
    %max3A_493 = vector.broadcast %max3A_492 : f32 to vector<512x256xf32>
    %max3A_494 = arith.maximumf %add3A_491, %max3A_493 : vector<512x256xf32>
    %reduce_sum3A_495 = arith.constant dense<0.000000e+00> : vector<512xf32>
    %reduce_sum3A_496 = vector.multi_reduction <add>, %max3A_494, %reduce_sum3A_495 [1] : vector<512x256xf32> to vector<512xf32>
    %broadcast_in_dim3A_497 = vector.shape_cast %reduce_sum3A_496 : vector<512xf32> to vector<512x1xf32>
    %div3A_498 = arith.constant 2.560000e+02 : f32
    %div3A_499 = vector.broadcast %div3A_498 : f32 to vector<512x1xf32>
    %div3A_500 = arith.divf %broadcast_in_dim3A_497, %div3A_499 : vector<512x1xf32>
    %jit3A_501 = arith.constant 0 : i32
    %reduce_sum3A_502 = arith.constant dense<0.000000e+00> : vector<512xf32>
    %reduce_sum3A_503 = vector.multi_reduction <add>, %max3A_494, %reduce_sum3A_502 [1] : vector<512x256xf32> to vector<512xf32>
    %broadcast_in_dim3A_504 = vector.shape_cast %reduce_sum3A_503 : vector<512xf32> to vector<512x1xf32>
    %div3A_505 = arith.constant 2.560000e+02 : f32
    %div3A_506 = vector.broadcast %div3A_505 : f32 to vector<512x1xf32>
    %div3A_507 = arith.divf %broadcast_in_dim3A_504, %div3A_506 : vector<512x1xf32>
    %sub3A_508 = vector.broadcast %div3A_507 : vector<512x1xf32> to vector<512x256xf32>
    %sub3A_509 = arith.subf %max3A_494, %sub3A_508 : vector<512x256xf32>
    %square3A_510 = arith.mulf %sub3A_509, %sub3A_509 : vector<512x256xf32>
    %convert_element_type3A_511 = arith.sitofp %jit3A_501 : i32 to f32
    %sub3A_512 = arith.constant 2.560000e+02 : f32
    %sub3A_513 = arith.subf %sub3A_512, %convert_element_type3A_511 : f32
    %reduce_sum3A_514 = arith.constant dense<0.000000e+00> : vector<512xf32>
    %reduce_sum3A_515 = vector.multi_reduction <add>, %square3A_510, %reduce_sum3A_514 [1] : vector<512x256xf32> to vector<512xf32>
    %broadcast_in_dim3A_516 = vector.shape_cast %reduce_sum3A_515 : vector<512xf32> to vector<512x1xf32>
    %div3A_517 = vector.broadcast %sub3A_513 : f32 to vector<512x1xf32>
    %div3A_518 = arith.divf %broadcast_in_dim3A_516, %div3A_517 : vector<512x1xf32>
    %gt3A_519 = arith.constant 0.000000e+00 : f32
    %gt3A_520 = arith.cmpf ogt, %sub3A_513, %gt3A_519 : f32
    %jit3A_521 = arith.constant 0x7FC00000 : f32
    %broadcast_in_dim3A_522 = vector.broadcast %jit3A_521 : f32 to vector<512x1xf32>
    %select_n3A_523 = arith.select %gt3A_520, %div3A_518, %broadcast_in_dim3A_522 : vector<512x1xf32>
    %sub3A_524 = vector.broadcast %div3A_500 : vector<512x1xf32> to vector<512x256xf32>
    %sub3A_525 = arith.subf %max3A_494, %sub3A_524 : vector<512x256xf32>
    %add3A_526 = arith.constant 9.99999974E-6 : f32
    %add3A_527 = vector.broadcast %add3A_526 : f32 to vector<512x1xf32>
    %add3A_528 = arith.addf %select_n3A_523, %add3A_527 : vector<512x1xf32>
    %sqrt3A_529 = math.sqrt %add3A_528 : vector<512x1xf32>
    %div3A_530 = vector.broadcast %sqrt3A_529 : vector<512x1xf32> to vector<512x256xf32>
    %div3A_531 = arith.divf %sub3A_525, %div3A_530 : vector<512x256xf32>
    %mul3A_532 = vector.broadcast %get3A_444 : vector<1x256xf32> to vector<512x256xf32>
    %mul3A_533 = arith.mulf %div3A_531, %mul3A_532 : vector<512x256xf32>
    %add3A_534 = vector.broadcast %get3A_449 : vector<1x256xf32> to vector<512x256xf32>
    %add3A_535 = arith.addf %mul3A_533, %add3A_534 : vector<512x256xf32>
    %convert_element_type3A_536 = arith.truncf %add3A_535 : vector<512x256xf32> to vector<512x256xbf16>
    %convert_element_type3A_537 = arith.truncf %get3A_429 : vector<768x256xf32> to vector<768x256xbf16>
    %broadcast_in_dim3A_538 = arith.constant 0.000000e+00 : bf16
    %broadcast_in_dim3A_539 = vector.broadcast %broadcast_in_dim3A_538 : bf16 to vector<1x256xbf16>
    %slice3A_540 = vector.extract_strided_slice %convert_element_type3A_536 {offsets = [0, 0], sizes = [511, 256], strides = [1, 1]} : vector<512x256xbf16> to vector<511x256xbf16>
    %concatenate3A_541 = tpu.concatenate %broadcast_in_dim3A_539, %slice3A_540 in 0 : vector<1x256xbf16>, vector<511x256xbf16> -> vector<512x256xbf16>
    %slice3A_542 = vector.extract_strided_slice %convert_element_type3A_537 {offsets = [0, 0], sizes = [256, 256], strides = [1, 1]} : vector<768x256xbf16> to vector<256x256xbf16>
    %dot_general3A_543 = arith.constant dense<0.000000e+00> : vector<512x256xf32>
    %dot_general3A_544 = tpu.matmul %concatenate3A_541, %slice3A_542, %dot_general3A_543 {dimension_numbers = #tpu.dot_dimension_numbers<[1], [0], [0], [1], [0, 0, 1, 1], [], []>, transpose_lhs_hint = false} : vector<512x256xbf16>, vector<256x256xbf16>, vector<512x256xf32> -> vector<512x256xf32>
    %slice3A_545 = vector.extract_strided_slice %convert_element_type3A_537 {offsets = [256, 0], sizes = [256, 256], strides = [1, 1]} : vector<768x256xbf16> to vector<256x256xbf16>
    %dot_general3A_546 = arith.constant dense<0.000000e+00> : vector<512x256xf32>
    %dot_general3A_547 = tpu.matmul %convert_element_type3A_536, %slice3A_545, %dot_general3A_546 {dimension_numbers = #tpu.dot_dimension_numbers<[1], [0], [0], [1], [0, 0, 1, 1], [], []>, transpose_lhs_hint = false} : vector<512x256xbf16>, vector<256x256xbf16>, vector<512x256xf32> -> vector<512x256xf32>
    %broadcast_in_dim3A_548 = arith.constant 0.000000e+00 : bf16
    %broadcast_in_dim3A_549 = vector.broadcast %broadcast_in_dim3A_548 : bf16 to vector<1x256xbf16>
    %slice3A_550 = vector.extract_strided_slice %convert_element_type3A_536 {offsets = [1, 0], sizes = [511, 256], strides = [1, 1]} : vector<512x256xbf16> to vector<511x256xbf16>
    %concatenate3A_551 = tpu.concatenate %slice3A_550, %broadcast_in_dim3A_549 in 0 : vector<511x256xbf16>, vector<1x256xbf16> -> vector<512x256xbf16>
    %slice3A_552 = vector.extract_strided_slice %convert_element_type3A_537 {offsets = [512, 0], sizes = [256, 256], strides = [1, 1]} : vector<768x256xbf16> to vector<256x256xbf16>
    %dot_general3A_553 = arith.constant dense<0.000000e+00> : vector<512x256xf32>
    %dot_general3A_554 = tpu.matmul %concatenate3A_551, %slice3A_552, %dot_general3A_553 {dimension_numbers = #tpu.dot_dimension_numbers<[1], [0], [0], [1], [0, 0, 1, 1], [], []>, transpose_lhs_hint = false} : vector<512x256xbf16>, vector<256x256xbf16>, vector<512x256xf32> -> vector<512x256xf32>
    %add3A_555 = arith.addf %dot_general3A_544, %dot_general3A_547 : vector<512x256xf32>
    %add3A_556 = arith.addf %add3A_555, %dot_general3A_554 : vector<512x256xf32>
    %add3A_557 = vector.broadcast %get3A_454 : vector<1x256xf32> to vector<512x256xf32>
    %add3A_558 = arith.addf %add3A_556, %add3A_557 : vector<512x256xf32>
    %max3A_559 = arith.constant 0.000000e+00 : f32
    %max3A_560 = vector.broadcast %max3A_559 : f32 to vector<512x256xf32>
    %max3A_561 = arith.maximumf %add3A_558, %max3A_560 : vector<512x256xf32>
    %reduce_sum3A_562 = arith.constant dense<0.000000e+00> : vector<512xf32>
    %reduce_sum3A_563 = vector.multi_reduction <add>, %max3A_561, %reduce_sum3A_562 [1] : vector<512x256xf32> to vector<512xf32>
    %broadcast_in_dim3A_564 = vector.shape_cast %reduce_sum3A_563 : vector<512xf32> to vector<512x1xf32>
    %div3A_565 = arith.constant 2.560000e+02 : f32
    %div3A_566 = vector.broadcast %div3A_565 : f32 to vector<512x1xf32>
    %div3A_567 = arith.divf %broadcast_in_dim3A_564, %div3A_566 : vector<512x1xf32>
    %jit3A_568 = arith.constant 0 : i32
    %reduce_sum3A_569 = arith.constant dense<0.000000e+00> : vector<512xf32>
    %reduce_sum3A_570 = vector.multi_reduction <add>, %max3A_561, %reduce_sum3A_569 [1] : vector<512x256xf32> to vector<512xf32>
    %broadcast_in_dim3A_571 = vector.shape_cast %reduce_sum3A_570 : vector<512xf32> to vector<512x1xf32>
    %div3A_572 = arith.constant 2.560000e+02 : f32
    %div3A_573 = vector.broadcast %div3A_572 : f32 to vector<512x1xf32>
    %div3A_574 = arith.divf %broadcast_in_dim3A_571, %div3A_573 : vector<512x1xf32>
    %sub3A_575 = vector.broadcast %div3A_574 : vector<512x1xf32> to vector<512x256xf32>
    %sub3A_576 = arith.subf %max3A_561, %sub3A_575 : vector<512x256xf32>
    %square3A_577 = arith.mulf %sub3A_576, %sub3A_576 : vector<512x256xf32>
    %convert_element_type3A_578 = arith.sitofp %jit3A_568 : i32 to f32
    %sub3A_579 = arith.constant 2.560000e+02 : f32
    %sub3A_580 = arith.subf %sub3A_579, %convert_element_type3A_578 : f32
    %reduce_sum3A_581 = arith.constant dense<0.000000e+00> : vector<512xf32>
    %reduce_sum3A_582 = vector.multi_reduction <add>, %square3A_577, %reduce_sum3A_581 [1] : vector<512x256xf32> to vector<512xf32>
    %broadcast_in_dim3A_583 = vector.shape_cast %reduce_sum3A_582 : vector<512xf32> to vector<512x1xf32>
    %div3A_584 = vector.broadcast %sub3A_580 : f32 to vector<512x1xf32>
    %div3A_585 = arith.divf %broadcast_in_dim3A_583, %div3A_584 : vector<512x1xf32>
    %gt3A_586 = arith.constant 0.000000e+00 : f32
    %gt3A_587 = arith.cmpf ogt, %sub3A_580, %gt3A_586 : f32
    %jit3A_588 = arith.constant 0x7FC00000 : f32
    %broadcast_in_dim3A_589 = vector.broadcast %jit3A_588 : f32 to vector<512x1xf32>
    %select_n3A_590 = arith.select %gt3A_587, %div3A_585, %broadcast_in_dim3A_589 : vector<512x1xf32>
    %sub3A_591 = vector.broadcast %div3A_567 : vector<512x1xf32> to vector<512x256xf32>
    %sub3A_592 = arith.subf %max3A_561, %sub3A_591 : vector<512x256xf32>
    %add3A_593 = arith.constant 9.99999974E-6 : f32
    %add3A_594 = vector.broadcast %add3A_593 : f32 to vector<512x1xf32>
    %add3A_595 = arith.addf %select_n3A_590, %add3A_594 : vector<512x1xf32>
    %sqrt3A_596 = math.sqrt %add3A_595 : vector<512x1xf32>
    %div3A_597 = vector.broadcast %sqrt3A_596 : vector<512x1xf32> to vector<512x256xf32>
    %div3A_598 = arith.divf %sub3A_592, %div3A_597 : vector<512x256xf32>
    %mul3A_599 = vector.broadcast %get3A_459 : vector<1x256xf32> to vector<512x256xf32>
    %mul3A_600 = arith.mulf %div3A_598, %mul3A_599 : vector<512x256xf32>
    %add3A_601 = vector.broadcast %get3A_464 : vector<1x256xf32> to vector<512x256xf32>
    %add3A_602 = arith.addf %mul3A_600, %add3A_601 : vector<512x256xf32>
    %convert_element_type3A_603 = arith.truncf %add3A_602 : vector<512x256xf32> to vector<512x256xbf16>
    %convert_element_type3A_604 = arith.truncf %get3A_434 : vector<256x1xf32> to vector<256x1xbf16>
    %dot_general3A_605 = arith.constant dense<0.000000e+00> : vector<512x1xf32>
    %dot_general3A_606 = tpu.matmul %convert_element_type3A_603, %convert_element_type3A_604, %dot_general3A_605 {dimension_numbers = #tpu.dot_dimension_numbers<[1], [0], [0], [1], [0, 0, 1, 1], [], []>, transpose_lhs_hint = false} : vector<512x256xbf16>, vector<256x1xbf16>, vector<512x1xf32> -> vector<512x1xf32>
    %add3A_607 = vector.broadcast %get3A_468 : f32 to vector<512x1xf32>
    %add3A_608 = arith.addf %dot_general3A_606, %add3A_607 : vector<512x1xf32>
    %mul3A_609 = arith.mulf %add3A_608, %sub3A_10 : vector<512x1xf32>
    %mul3A_610 = vector.broadcast %get3A_18 : f32 to vector<512x1xf32>
    %mul3A_611 = arith.mulf %mul3A_609, %mul3A_610 : vector<512x1xf32>
    %lt3A_612 = vector.broadcast %mul3A_611 : vector<512x1xf32> to vector<512x256xf32>
    %lt3A_613 = arith.cmpf olt, %select_n3A, %lt3A_612 : vector<512x256xf32>
    %convert_element_type3A_614 = arith.extui %lt3A_613 : vector<512x256xi1> to vector<512x256xi32>
    %convert_element_type3A_615 = arith.sitofp %convert_element_type3A_614 : vector<512x256xi32> to vector<512x256xf32>
    %reduce_sum3A_616 = arith.constant dense<0.000000e+00> : vector<512xf32>
    %reduce_sum3A_617 = vector.multi_reduction <add>, %convert_element_type3A_615, %reduce_sum3A_616 [1] : vector<512x256xf32> to vector<512xf32>
    %broadcast_in_dim3A_618 = vector.shape_cast %reduce_sum3A_617 : vector<512xf32> to vector<512x1xf32>
    %eq3A_619 = vector.broadcast %broadcast_in_dim3A_618 : vector<512x1xf32> to vector<512x256xf32>
    %eq3A_620 = arith.cmpf oeq, %convert_element_type3A, %eq3A_619 : vector<512x256xf32>
    %convert_element_type3A_621 = arith.extui %eq3A_620 : vector<512x256xi1> to vector<512x256xi32>
    %convert_element_type3A_622 = arith.sitofp %convert_element_type3A_621 : vector<512x256xi32> to vector<512x256xf32>
    %get3A_623 = arith.constant 0 : index
    %get3A_624 = arith.constant 0 : index
    %get3A_625 = vector.load %arg9[%get3A_623, %get3A_624] : memref<256x256xf32, #tpu.memory_space<vmem>>, vector<256x256xf32>
    %dot_general3A_626 = arith.constant dense<0.000000e+00> : vector<512x256xf32>
    %dot_general3A_627 = tpu.matmul %convert_element_type3A_622, %get3A_625, %dot_general3A_626 {dimension_numbers = #tpu.dot_dimension_numbers<[1], [0], [0], [1], [0, 0, 1, 1], [], []>, precision = #tpu.contract_precision<fp32>, transpose_lhs_hint = false} : vector<512x256xf32>, vector<256x256xf32>, vector<512x256xf32> -> vector<512x256xf32>
    %add3A_628 = arith.addf %add3A_419, %dot_general3A_627 : vector<512x256xf32>
    %exp3A = math.exp %mul3A_212 : vector<512x1xf32>
    %sub3A_629 = arith.constant 1.000000e+00 : f32
    %sub3A_630 = vector.broadcast %sub3A_629 : f32 to vector<512x1xf32>
    %sub3A_631 = arith.subf %exp3A, %sub3A_630 : vector<512x1xf32>
    %round3A = math.roundeven %sub3A_631 : vector<512x1xf32>
    %mul3A_632 = vector.broadcast %get3A_22 : f32 to vector<512x1xf32>
    %mul3A_633 = arith.mulf %round3A, %mul3A_632 : vector<512x1xf32>
    %max3A_634 = arith.constant 0.000000e+00 : f32
    %max3A_635 = vector.broadcast %max3A_634 : f32 to vector<512x1xf32>
    %max3A_636 = arith.maximumf %mul3A_633, %max3A_635 : vector<512x1xf32>
    %mul3A_637 = arith.mulf %max3A_636, %sub3A_10 : vector<512x1xf32>
    %floor3A = math.floor %mul3A_637 : vector<512x1xf32>
    %iota3A_638 = tpu.iota {dimensions = array<i32: 0>} : vector<512x512xi32>
    %iota3A_639 = tpu.iota {dimensions = array<i32: 1>} : vector<512x512xi32>
    %le3A = arith.cmpi sle, %iota3A_639, %iota3A_638 : vector<512x512xi32>
    %convert_element_type3A_640 = arith.extui %le3A : vector<512x512xi1> to vector<512x512xi32>
    %convert_element_type3A_641 = arith.sitofp %convert_element_type3A_640 : vector<512x512xi32> to vector<512x512xf32>
    %convert_element_type3A_642 = arith.truncf %convert_element_type3A_641 : vector<512x512xf32> to vector<512x512xbf16>
    %mul3A_643 = arith.constant 3.906250e-03 : f32
    %mul3A_644 = vector.broadcast %mul3A_643 : f32 to vector<512x1xf32>
    %mul3A_645 = arith.mulf %floor3A, %mul3A_644 : vector<512x1xf32>
    %floor3A_646 = math.floor %mul3A_645 : vector<512x1xf32>
    %mul3A_647 = arith.constant 2.560000e+02 : f32
    %mul3A_648 = vector.broadcast %mul3A_647 : f32 to vector<512x1xf32>
    %mul3A_649 = arith.mulf %floor3A_646, %mul3A_648 : vector<512x1xf32>
    %sub3A_650 = arith.subf %floor3A, %mul3A_649 : vector<512x1xf32>
    %convert_element_type3A_651 = arith.truncf %floor3A_646 : vector<512x1xf32> to vector<512x1xbf16>
    %dot_general3A_652 = arith.constant dense<0.000000e+00> : vector<512x1xf32>
    %dot_general3A_653 = tpu.matmul %convert_element_type3A_642, %convert_element_type3A_651, %dot_general3A_652 {dimension_numbers = #tpu.dot_dimension_numbers<[1], [0], [0], [1], [0, 0, 1, 1], [], []>, transpose_lhs_hint = false} : vector<512x512xbf16>, vector<512x1xbf16>, vector<512x1xf32> -> vector<512x1xf32>
    %mul3A_654 = arith.constant 2.560000e+02 : f32
    %mul3A_655 = vector.broadcast %mul3A_654 : f32 to vector<512x1xf32>
    %mul3A_656 = arith.mulf %dot_general3A_653, %mul3A_655 : vector<512x1xf32>
    %convert_element_type3A_657 = arith.truncf %sub3A_650 : vector<512x1xf32> to vector<512x1xbf16>
    %dot_general3A_658 = arith.constant dense<0.000000e+00> : vector<512x1xf32>
    %dot_general3A_659 = tpu.matmul %convert_element_type3A_642, %convert_element_type3A_657, %dot_general3A_658 {dimension_numbers = #tpu.dot_dimension_numbers<[1], [0], [0], [1], [0, 0, 1, 1], [], []>, transpose_lhs_hint = false} : vector<512x512xbf16>, vector<512x1xbf16>, vector<512x1xf32> -> vector<512x1xf32>
    %add3A_660 = arith.addf %mul3A_656, %dot_general3A_659 : vector<512x1xf32>
    %reduce_max3A = vector.shape_cast %add3A_660 : vector<512x1xf32> to vector<1x512x1xf32>
    %reduce_max3A_661 = arith.constant dense<0xFF800000> : vector<1xf32>
    %reduce_max3A_662 = vector.multi_reduction <maximumf>, %reduce_max3A, %reduce_max3A_661 [1, 2] : vector<1x512x1xf32> to vector<1xf32>
    %reduce_max3A_663 = vector.shape_cast %reduce_max3A_662 : vector<1xf32> to vector<1x1x1xf32>
    %reduce_max3A_664 = vector.extract %reduce_max3A_663[0, 0, 0] : f32 from vector<1x1x1xf32>
    %min3A = arith.constant 1.024000e+03 : f32
    %min3A_665 = arith.minimumf %reduce_max3A_664, %min3A : f32
    %iota3A_666 = tpu.iota {dimensions = array<i32: 1>} : vector<1x1024xi32>
    %convert_element_type3A_667 = arith.sitofp %iota3A_666 : vector<1x1024xi32> to vector<1x1024xf32>
    %le3A_668 = vector.broadcast %add3A_660 : vector<512x1xf32> to vector<512x1024xf32>
    %le3A_669 = vector.broadcast %convert_element_type3A_667 : vector<1x1024xf32> to vector<512x1024xf32>
    %le3A_670 = arith.cmpf ole, %le3A_668, %le3A_669 : vector<512x1024xf32>
    %convert_element_type3A_671 = arith.extui %le3A_670 : vector<512x1024xi1> to vector<512x1024xi32>
    %convert_element_type3A_672 = arith.sitofp %convert_element_type3A_671 : vector<512x1024xi32> to vector<512x1024xf32>
    %reduce_sum3A_673 = arith.constant dense<0.000000e+00> : vector<1024xf32>
    %reduce_sum3A_674 = vector.multi_reduction <add>, %convert_element_type3A_672, %reduce_sum3A_673 [0] : vector<512x1024xf32> to vector<1024xf32>
    %broadcast_in_dim3A_675 = vector.shape_cast %reduce_sum3A_674 : vector<1024xf32> to vector<1x1024xf32>
    %min3A_676 = arith.constant 5.110000e+02 : f32
    %min3A_677 = vector.broadcast %min3A_676 : f32 to vector<1x1024xf32>
    %min3A_678 = arith.minimumf %broadcast_in_dim3A_675, %min3A_677 : vector<1x1024xf32>
    %lt3A_679 = vector.broadcast %min3A_665 : f32 to vector<1x1024xf32>
    %lt3A_680 = arith.cmpf olt, %convert_element_type3A_667, %lt3A_679 : vector<1x1024xf32>
    %convert_element_type3A_681 = arith.fptosi %min3A_678 : vector<1x1024xf32> to vector<1x1024xi32>
    %mul3A_682 = arith.constant 520 : i32
    %mul3A_683 = arith.muli %arg0, %mul3A_682 : i32
    %add3A_684 = vector.broadcast %mul3A_683 : i32 to vector<1x1024xi32>
    %add3A_685 = arith.addi %convert_element_type3A_681, %add3A_684 : vector<1x1024xi32>
    %jit3A_686 = arith.constant 512 : i32
    %broadcast_in_dim3A_687 = vector.broadcast %jit3A_686 : i32 to vector<1x1024xi32>
    %select_n3A_688 = arith.select %lt3A_680, %add3A_685, %broadcast_in_dim3A_687 : vector<1x1024xi1>, vector<1x1024xi32>
    %swap3A = arith.constant 0 : index
    %swap3A_689 = arith.constant 0 : index
    %swap3A_690 = arith.constant 0 : index
    %swap3A_691 = vector.load %arg11[%swap3A, %swap3A_689, %swap3A_690] : memref<1x1x1024xi32, #tpu.memory_space<vmem>>, vector<1x1x1024xi32>
    %swap3A_692 = vector.shape_cast %swap3A_691 : vector<1x1x1024xi32> to vector<1x1024xi32>
    %swap3A_693 = vector.shape_cast %select_n3A_688 : vector<1x1024xi32> to vector<1x1x1024xi32>
    tpu.vector_store %arg11[%swap3A, %swap3A_689, %swap3A_690], %swap3A_693 {strides = array<i32>} : memref<1x1x1024xi32, #tpu.memory_space<vmem>>, vector<1x1x1024xi32>,
    %broadcast_in_dim3A_694 = arith.constant 0.000000e+00 : f32
    %broadcast_in_dim3A_695 = vector.broadcast %broadcast_in_dim3A_694 : f32 to vector<8x256xf32>
    %concatenate3A_696 = tpu.concatenate %add3A_628, %broadcast_in_dim3A_695 in 0 : vector<512x256xf32>, vector<8x256xf32> -> vector<520x256xf32>
    %swap3A_697 = arith.constant 0 : index
    %swap3A_698 = arith.constant 0 : index
    %swap3A_699 = arith.constant 0 : index
    %swap3A_700 = vector.load %arg10[%swap3A_697, %swap3A_698, %swap3A_699] : memref<1x520x256xf32, #tpu.memory_space<vmem>>, vector<1x520x256xf32>
    %swap3A_701 = vector.shape_cast %swap3A_700 : vector<1x520x256xf32> to vector<520x256xf32>
    %swap3A_702 = vector.shape_cast %concatenate3A_696 : vector<520x256xf32> to vector<1x520x256xf32>
    tpu.vector_store %arg10[%swap3A_697, %swap3A_698, %swap3A_699], %swap3A_702 {strides = array<i32>} : memref<1x520x256xf32, #tpu.memory_space<vmem>>, vector<1x520x256xf32>,
    %swap3A_703 = arith.constant 0 : index
    %swap3A_704 = arith.constant 0 : index
    %swap3A_705 = arith.constant 0 : index
    %swap3A_706 = vector.load %arg12[%swap3A_703, %swap3A_704, %swap3A_705] : memref<1x512x1xf32, #tpu.memory_space<vmem>>, vector<1x512x1xf32>
    %swap3A_707 = vector.shape_cast %swap3A_706 : vector<1x512x1xf32> to vector<512x1xf32>
    %swap3A_708 = vector.shape_cast %mul3A_404 : vector<512x1xf32> to vector<1x512x1xf32>
    tpu.vector_store %arg12[%swap3A_703, %swap3A_704, %swap3A_705], %swap3A_708 {strides = array<i32>} : memref<1x512x1xf32, #tpu.memory_space<vmem>>, vector<1x512x1xf32>,
    %swap3A_709 = arith.constant 0 : index
    %swap3A_710 = arith.constant 0 : index
    %swap3A_711 = arith.constant 0 : index
    %swap3A_712 = vector.load %arg13[%swap3A_709, %swap3A_710, %swap3A_711] : memref<1x512x1xf32, #tpu.memory_space<vmem>>, vector<1x512x1xf32>
    %swap3A_713 = vector.shape_cast %swap3A_712 : vector<1x512x1xf32> to vector<512x1xf32>
    %swap3A_714 = vector.shape_cast %mul3A_611 : vector<512x1xf32> to vector<1x512x1xf32>
    tpu.vector_store %arg13[%swap3A_709, %swap3A_710, %swap3A_711], %swap3A_714 {strides = array<i32>} : memref<1x512x1xf32, #tpu.memory_space<vmem>>, vector<1x512x1xf32>,
    %swap3A_715 = arith.constant 0 : index
    %swap3A_716 = arith.constant 0 : index
    %swap3A_717 = arith.constant 0 : index
    %swap3A_718 = vector.load %arg14[%swap3A_715, %swap3A_716, %swap3A_717] : memref<1x512x1xf32, #tpu.memory_space<vmem>>, vector<1x512x1xf32>
    %swap3A_719 = vector.shape_cast %swap3A_718 : vector<1x512x1xf32> to vector<512x1xf32>
    %swap3A_720 = vector.shape_cast %mul3A_212 : vector<512x1xf32> to vector<1x512x1xf32>
    tpu.vector_store %arg14[%swap3A_715, %swap3A_716, %swap3A_717], %swap3A_720 {strides = array<i32>} : memref<1x512x1xf32, #tpu.memory_space<vmem>>, vector<1x512x1xf32>,
    %swap3A_721 = arith.constant 0 : index
    %swap3A_722 = arith.constant 0 : index
    %swap3A_723 = arith.constant 0 : index
    %swap3A_724 = vector.load %arg15[%swap3A_721, %swap3A_722, %swap3A_723] : memref<1x512x1xf32, #tpu.memory_space<vmem>>, vector<1x512x1xf32>
    %swap3A_725 = vector.shape_cast %swap3A_724 : vector<1x512x1xf32> to vector<512x1xf32>
    %swap3A_726 = vector.shape_cast %floor3A : vector<512x1xf32> to vector<1x512x1xf32>
    tpu.vector_store %arg15[%swap3A_721, %swap3A_722, %swap3A_723], %swap3A_726 {strides = array<i32>} : memref<1x512x1xf32, #tpu.memory_space<vmem>>, vector<1x512x1xf32>,
    %convert_element_type3A_727 = arith.fptosi %min3A_665 : f32 to i32
    %broadcast_in_dim3A_728 = vector.broadcast %convert_element_type3A_727 : i32 to vector<1x1xi32>
    %swap3A_729 = arith.constant 0 : index
    %swap3A_730 = arith.constant 0 : index
    %swap3A_731 = arith.constant 0 : index
    %swap3A_732 = vector.load %arg16[%swap3A_729, %swap3A_730, %swap3A_731] : memref<1x1x1xi32, #tpu.memory_space<vmem>>, vector<1x1x1xi32>
    %swap3A_733 = vector.shape_cast %swap3A_732 : vector<1x1x1xi32> to vector<1x1xi32>
    %swap3A_734 = vector.shape_cast %broadcast_in_dim3A_728 : vector<1x1xi32> to vector<1x1x1xi32>
    tpu.vector_store %arg16[%swap3A_729, %swap3A_730, %swap3A_731], %swap3A_734 {strides = array<i32>} : memref<1x1x1xi32, #tpu.memory_space<vmem>>, vector<1x1x1xi32>,
    %ge3A = vector.broadcast %min3A_665 : f32 to vector<1x1024xf32>
    %ge3A_735 = arith.cmpf oge, %convert_element_type3A_667, %ge3A : vector<1x1024xf32>
    %convert_element_type3A_736 = arith.extui %ge3A_735 : vector<1x1024xi1> to vector<1x1024xi32>
    %swap3A_737 = arith.constant 0 : index
    %swap3A_738 = arith.constant 0 : index
    %swap3A_739 = arith.constant 0 : index
    %swap3A_740 = vector.load %arg17[%swap3A_737, %swap3A_738, %swap3A_739] : memref<1x1x1024xi32, #tpu.memory_space<vmem>>, vector<1x1x1024xi32>
    %swap3A_741 = vector.shape_cast %swap3A_740 : vector<1x1x1024xi32> to vector<1x1024xi32>
    %swap3A_742 = vector.shape_cast %convert_element_type3A_736 : vector<1x1024xi32> to vector<1x1x1024xi32>
    tpu.vector_store %arg17[%swap3A_737, %swap3A_738, %swap3A_739], %swap3A_742 {strides = array<i32>} : memref<1x1x1024xi32, #tpu.memory_space<vmem>>, vector<1x1x1024xi32>,
    return
  }
  func.func @transform_0(%arg0: i32) -> (i32, i32, i32) {
    %c0_i32 = arith.constant 0 : i32
    %c0_i32_0 = arith.constant 0 : i32
    %c0_i32_1 = arith.constant 0 : i32
    return %arg0, %c0_i32, %c0_i32_0 : i32, i32, i32
  }
  func.func @transform_1(%arg0: i32) -> (i32, i32, i32) {
    %c0_i32 = arith.constant 0 : i32
    %c0_i32_0 = arith.constant 0 : i32
    %c0_i32_1 = arith.constant 0 : i32
    return %arg0, %c0_i32, %c0_i32_0 : i32, i32, i32
  }
  func.func @transform_2(%arg0: i32) -> (i32, i32, i32) {
    %c0_i32 = arith.constant 0 : i32
    %c0_i32_0 = arith.constant 0 : i32
    %c0_i32_1 = arith.constant 0 : i32
    %c0_i32_2 = arith.constant 0 : i32
    return %c0_i32, %c0_i32_0, %c0_i32_1 : i32, i32, i32
  }
  func.func @transform_3(%arg0: i32) -> (i32, i32, i32) {
    %c0_i32 = arith.constant 0 : i32
    %c0_i32_0 = arith.constant 0 : i32
    %c0_i32_1 = arith.constant 0 : i32
    %c0_i32_2 = arith.constant 0 : i32
    return %c0_i32, %c0_i32_0, %c0_i32_1 : i32, i32, i32
  }
  func.func @transform_4(%arg0: i32) -> (i32, i32, i32) {
    %c0_i32 = arith.constant 0 : i32
    %c0_i32_0 = arith.constant 0 : i32
    %c0_i32_1 = arith.constant 0 : i32
    %c0_i32_2 = arith.constant 0 : i32
    return %c0_i32, %c0_i32_0, %c0_i32_1 : i32, i32, i32
  }
  func.func @transform_5(%arg0: i32) -> (i32, i32, i32) {
    %c0_i32 = arith.constant 0 : i32
    %c0_i32_0 = arith.constant 0 : i32
    %c0_i32_1 = arith.constant 0 : i32
    %c0_i32_2 = arith.constant 0 : i32
    return %c0_i32, %c0_i32_0, %c0_i32_1 : i32, i32, i32
  }
  func.func @transform_6(%arg0: i32) -> (i32, i32) {
    %c0_i32 = arith.constant 0 : i32
    %c0_i32_0 = arith.constant 0 : i32
    %c0_i32_1 = arith.constant 0 : i32
    return %c0_i32, %c0_i32_0 : i32, i32
  }
  func.func @transform_7(%arg0: i32) -> (i32, i32) {
    %c0_i32 = arith.constant 0 : i32
    %c0_i32_0 = arith.constant 0 : i32
    %c0_i32_1 = arith.constant 0 : i32
    return %c0_i32, %c0_i32_0 : i32, i32
  }
  func.func @transform_8(%arg0: i32) -> (i32, i32) {
    %c0_i32 = arith.constant 0 : i32
    %c0_i32_0 = arith.constant 0 : i32
    %c0_i32_1 = arith.constant 0 : i32
    return %c0_i32, %c0_i32_0 : i32, i32
  }
  func.func @transform_9(%arg0: i32) -> (i32, i32, i32) {
    %c0_i32 = arith.constant 0 : i32
    %c0_i32_0 = arith.constant 0 : i32
    %c0_i32_1 = arith.constant 0 : i32
    return %arg0, %c0_i32, %c0_i32_0 : i32, i32, i32
  }
  func.func @transform_10(%arg0: i32) -> (i32, i32, i32) {
    %c0_i32 = arith.constant 0 : i32
    %c0_i32_0 = arith.constant 0 : i32
    %c0_i32_1 = arith.constant 0 : i32
    return %arg0, %c0_i32, %c0_i32_0 : i32, i32, i32
  }
  func.func @transform_11(%arg0: i32) -> (i32, i32, i32) {
    %c0_i32 = arith.constant 0 : i32
    %c0_i32_0 = arith.constant 0 : i32
    %c0_i32_1 = arith.constant 0 : i32
    return %arg0, %c0_i32, %c0_i32_0 : i32, i32, i32
  }
  func.func @transform_12(%arg0: i32) -> (i32, i32, i32) {
    %c0_i32 = arith.constant 0 : i32
    %c0_i32_0 = arith.constant 0 : i32
    %c0_i32_1 = arith.constant 0 : i32
    return %arg0, %c0_i32, %c0_i32_0 : i32, i32, i32
  }
  func.func @transform_13(%arg0: i32) -> (i32, i32, i32) {
    %c0_i32 = arith.constant 0 : i32
    %c0_i32_0 = arith.constant 0 : i32
    %c0_i32_1 = arith.constant 0 : i32
    return %arg0, %c0_i32, %c0_i32_0 : i32, i32, i32
  }
  func.func @transform_14(%arg0: i32) -> (i32, i32, i32) {
    %c0_i32 = arith.constant 0 : i32
    %c0_i32_0 = arith.constant 0 : i32
    %c0_i32_1 = arith.constant 0 : i32
    return %arg0, %c0_i32, %c0_i32_0 : i32, i32, i32
  }
  func.func @transform_15(%arg0: i32) -> (i32, i32, i32) {
    %c0_i32 = arith.constant 0 : i32
    %c0_i32_0 = arith.constant 0 : i32
    %c0_i32_1 = arith.constant 0 : i32
    return %arg0, %c0_i32, %c0_i32_0 : i32, i32, i32
  }
  func.func @transform_16(%arg0: i32) -> (i32, i32, i32) {
    %c0_i32 = arith.constant 0 : i32
    %c0_i32_0 = arith.constant 0 : i32
    %c0_i32_1 = arith.constant 0 : i32
    return %arg0, %c0_i32, %c0_i32_0 : i32, i32, i32
  }
}

</mosaic_0001>

<sc_bundles>
// kernel: kernel.6.cloned.1.call-start
scs
__scs_entry_jumppad:
0x0: {  	(pc) =	sbr.rel $0x88, $3  }
0x1: {  	(tag) =	ssettag $0x0;
	lr =	simm.s32 $0x1  }
0x2: {  	[smem:$0x3F7C] =	sst lr;
	_ =	strace $0xD0000000  }
0x3: {  	_ = 	snop  }
0x4: {  	_ = 	snop  }
0x5: {  	_ = 	snop  }
0x6: {  	_ = 	snop  }
0x7: {  	_ = 	snop  }
__scs_overlays_trampoline_lowered:
0x8: {  	[smem:$0x3F8B] =	sst s0  }
0x9: {  	[smem:$0x3F8C] =	sst s1  }
0xa: {  	[smem:$0x3F8D] =	sst s2  }
0xb: {  	[smem:$0x3F8E] =	sst s3  }
0xc: {  	[smem:$0x3F8F] =	sst s4  }
0xd: {  	[smem:$0x3F90] =	sst s5  }
0xe: {  	[smem:$0x3F91] =	sst s6  }
0xf: {  	[smem:$0x3F92] =	sst s7  }
0x10: {  	[smem:$0x3F93] =	sst s8  }
0x11: {  	[smem:$0x3F94] =	sst s9;
	s0 =	simm.s32 @!p0 $0x0  }
0x12: {  	s1 =	sld [smem:$0x3F7A];
	s0 =	simm.s32 @p0 $0x1  }
0x13: {  	[smem:$0x3F95] =	sst s0;
	s0 =	simm.s32 @!p1 $0x0  }
0x14: {  	s2 =	sld [smem:$0x3F79];
	s0 =	simm.s32 @p1 $0x1  }
0x15: {  	[smem:$0x3F96] =	sst s0;
	s0 =	simm.s32 @!p2 $0x0  }
0x16: {  	s3 =	sld [smem:$0x3FDB];
	s0 =	simm.s32 @p2 $0x1  }
0x17: {  	s4 =	simm.s32 $0x1BF5;
	[smem:$0x3F98] =	sst s0  }
0x18: {  	s0 =	sld [smem:$0x3F7B];
	_ =	swait.ge [sflag:s4], $0x0  }
0x19: {  	s7 =	sld [smem:$0x3F7C]  }
0x1a: {  	s8 =	sadd.s32 $0xFFFFE003, lr  }
0x1b: {  	s9 =	sadd.s32 $0xFFFFFEF7, lr;
	s5 =	simm.s32 $0xFFFFFFFF;
	p2 =	slt.u32 s8, $0xFFFFF086  }
0x1c: {  	p1 =	slt.u32 s9, $0xF7A;
	s5 =	simm.s32 @!p2 $0x0  }
0x1d: {  	s5 =	simm.s32 @p1 $0x1;
	p0 =	seq.s32 s7, s2  }
0x1e: {  	s7 =	smul.u32 @!p0 $0xF7A, s2;
	p2 =	seq.s32 @!p0 s5, $0x0  }
0x1f: {  	s9 =	smul.u32 $0xF7A, s1;
	s8 =	simm.s32 @!p0 $0x1BF5;
	p2 =	por !p2, p0  }
0x20: {  	[sflag:s8] =	ssyncset.s32 @!p0 $0xFFFFF086;
	s6 =	sadd.s32 @!p0 s3, s7;
	s7 =	simm.s32 @!p0 $0x108  }
0x21: {  	s3 =	sadd.s32 s3, s9;
	s6 =	sadd.s32 @!p0 $0x88, s6;
	s7 =	simm.s32 @p2 $0x1082  }
0x22: {  	[simem:s7], [sflag:s8] =	dma.local @!p0 [hbm:s6], $0xF7A  }
0x23: {  	s9 =	sor.u32 $0xD0000000, s2;
	s6 =	simm.s32 $0x108;
	_ =	swait.ge @!p0 [sflag:s8], $0x0  }
0x24: {  	s3 =	sadd.s32 $0x88, s3;
	s6 =	simm.s32 @!p1 $0x1082;
	[sflag:s4] =	ssyncset.s32 $0xFFFFF086  }
0x25: {  	[simem:s6], [sflag:s4] =	dma.local [hbm:s3], $0xF7A  }
0x26: {  	[smem:$0x3F7C] =	sst s1;
	(tag) =	ssettag s2;
	_ =	strace s9  }
0x27: {  	s1 =	sld [smem:$0x3F8C]  }
0x28: {  	s2 =	sld [smem:$0x3F8D]  }
0x29: {  	s4 =	sld [smem:$0x3F8F]  }
0x2a: {  	p0 =	seq.s32 s5, $0x0;
	s5 =	sld [smem:$0x3F90]  }
0x2b: {  	s6 =	sld [smem:$0x3F91]  }
0x2c: {  	s7 =	sld [smem:$0x3F92]  }
0x2d: {  	s3 =	simm.s32 $0x108;
	s8 =	sld [smem:$0x3F93]  }
0x2e: {  	s3 =	simm.s32 @!p0 $0x1082;
	s9 =	sld [smem:$0x3F94]  }
0x2f: {  	lr =	sadd.s32 s0, s3;
	s0 =	sld [smem:$0x3F8B]  }
0x30: {  	s3 =	sld [smem:$0x3F8E]  }
0x31: {  	[smem:$0x3F97] =	sst s10  }
0x32: {  	s10 =	sld [smem:$0x3F95];
	_ =	sdelay $0x3  }
0x33: {  	p0 =	seq.s32 s10, $0x1;
	s10 =	sld [smem:$0x3F97];
	_ =	sdelay $0x3  }
0x34: {  	[smem:$0x3F97] =	sst s10  }
0x35: {  	s10 =	sld [smem:$0x3F96];
	_ =	sdelay $0x3  }
0x36: {  	p1 =	seq.s32 s10, $0x1;
	s10 =	sld [smem:$0x3F97];
	_ =	sdelay $0x3  }
0x37: {  	[smem:$0x3F97] =	sst s10  }
0x38: {  	s10 =	sld [smem:$0x3F98]  }
0x39: {  	_ = 	snop;
	(pc) =	sbr.ind lr, $3  }
0x3a: {  	_ = 	snop  }
0x3b: {  	_ = 	snop  }
0x3c: {  	p2 =	seq.s32 s10, $0x1;
	s10 =	sld [smem:$0x3F97]  }
0x3d: {  	_ =	shalt  }
0x3e: {  	_ =	shalt  }
0x3f: {  	_ =	shalt  }
0x40: {  	_ =	shalt  }
0x41: {  	_ =	shalt  }
0x42: {  	_ =	shalt  }
0x43: {  	_ =	shalt  }
0x44: {  	_ =	shalt  }
0x45: {  	_ =	shalt  }
0x46: {  	_ =	shalt  }
0x47: {  	_ =	shalt  }
0x48: {  	_ =	shalt  }
0x49: {  	_ =	shalt  }
0x4a: {  	_ =	shalt  }
0x4b: {  	_ =	shalt  }
0x4c: {  	_ =	shalt  }
0x4d: {  	_ =	shalt  }
0x4e: {  	_ =	shalt  }
0x4f: {  	_ =	shalt  }
0x50: {  	_ =	shalt  }
0x51: {  	_ =	shalt  }
0x52: {  	_ =	shalt  }
0x53: {  	_ =	shalt  }
0x54: {  	_ =	shalt  }
0x55: {  	_ =	shalt  }
0x56: {  	_ =	shalt  }
0x57: {  	_ =	shalt  }
0x58: {  	_ =	shalt  }
0x59: {  	_ =	shalt  }
0x5a: {  	_ =	shalt  }
0x5b: {  	_ =	shalt  }
0x5c: {  	_ =	shalt  }
0x5d: {  	_ =	shalt  }
0x5e: {  	_ =	shalt  }
0x5f: {  	_ =	shalt  }
0x60: {  	_ =	shalt  }
0x61: {  	_ =	shalt  }
0x62: {  	_ =	shalt  }
0x63: {  	_ =	shalt  }
0x64: {  	_ =	shalt  }
0x65: {  	_ =	shalt  }
0x66: {  	_ =	shalt  }
0x67: {  	_ =	shalt  }
0x68: {  	_ =	shalt  }
0x69: {  	_ =	shalt  }
0x6a: {  	_ =	shalt  }
0x6b: {  	_ =	shalt  }
0x6c: {  	_ =	shalt  }
0x6d: {  	_ =	shalt  }
0x6e: {  	_ =	shalt  }
0x6f: {  	_ =	shalt  }
0x70: {  	_ =	shalt  }
0x71: {  	_ =	shalt  }
0x72: {  	_ =	shalt  }
0x73: {  	_ =	shalt  }
0x74: {  	_ =	shalt  }
0x75: {  	_ =	shalt  }
0x76: {  	_ =	shalt  }
0x77: {  	_ =	shalt  }
0x78: {  	_ =	shalt  }
0x79: {  	_ =	shalt  }
0x7a: {  	_ =	shalt  }
0x7b: {  	_ =	shalt  }
0x7c: {  	_ =	shalt  }
0x7d: {  	_ =	shalt  }
0x7e: {  	_ =	shalt  }
0x7f: {  	_ =	shalt  }
0x80: {  	_ =	shalt  }
0x81: {  	_ =	shalt  }
0x82: {  	_ =	shalt  }
0x83: {  	_ =	shalt  }
0x84: {  	_ =	shalt  }
0x85: {  	_ =	shalt  }
0x86: {  	_ =	shalt  }
0x87: {  	_ =	shalt  }
.Lfunc_end0:
.L_simem_size_0:
called_computation_lowered:
.L_overlay_start_0:
0x88: {  	s2 =	sld [smem:$0x3FD9]  }
0x89: {  	s3 =	sld [smem:$0x3FFE];
	_ =	sdelay $0x1  }
0x8a: {  	s1 =	srdreg.scid  }
0x8b: {  	s0 =	sand.u32 $0x1, s1  }
0x8c: {  	s17 =	sshll.u32 s0, $0xA;
	s2 =	sadd.s32 s3, s2  }
0x8d: {  	s2 =	sadd.s32 s2, s17  }
0x8e: {  	[smem:$0x3FA3] =	sst s2  }
0x8f: {  	_ = 	snop  }
0x90: {  	(tm) =	ssettm $0x1  }
0x91: {  	s18 =	sld [smem:$0x3FFB];
	_ =	sdelay $0x3  }
0x92: {  	_ =	strace s18  }
0x93: {  	s2 =	sld [smem:$0x3FFC];
	_ =	sdelay $0x3  }
0x94: {  	_ =	strace s2  }
0x95: {  	s2 =	sld [smem:$0x3FFD];
	_ =	sdelay $0x3  }
0x96: {  	_ =	strace s2  }
0x97: {  	_ =	strace $0x8FFFFFFF  }
0x98: {  	s19 =	sld [smem:$0x3FDB];
	_ =	sdelay $0x1  }
0x99: {  	s20 =	simm.s32 $_scs_section_size  }
0x9a: {  	s4 =	simm.s32 $_size__tile_overlayer_lowered;
	s5 =	simm.s32 $_tile_overlayer_lowered  }
0x9b: {  	s6 =	simm.s32 $0x1BFF;
	s21 =	sshll.u32 s5, $0x1;
	s3 =	sadd.s32 s20, s19  }
0x9c: {  	s22 =	simm.s32 $0x0;
	s4 =	sshll.u32 s4, $0x1;
	s5 =	sadd.s32 s21, s3  }
0x9d: {  	[timem:s22], [sflag:s6] =	dma.local [hbm:s5], s4  }
0x9e: {  	_ =	swait.ge [sflag:s6], s4  }
0x9f: {  	s4 =	ssub.s32 $0x0, s4;
	[sflag:s6] =	ssyncset.done $0x0  }
0xa0: {  	[sflag:s6] =	ssyncadd.s32 s4;
	_ =	sdelay $0x1  }
0xa1: {  	s23 =	simm.s32 $0x1B8B  }
0xa2: {  	_ =	swait.ge [sflag:s23], $0x1  }
0xa3: {  	[sflag:s23] =	ssyncset.done $0x0  }
0xa4: {  	[sflag:s23] =	ssyncadd.s32 $0xFFFFFFFF  }
0xa5: {  	s4 =	sld [smem:$0x0]  }
0xa6: {  	s5 =	sand.u32 $0xFFFFFFFE, s1  }
0xa7: {  	p0 =	sne.s32 s1, s5  }
0xa8: {  	s5 =	sshll.u32 @p0 s5, $0xE  }
0xa9: {  	s5 =	sadd.s32 @p0 $0x11B8D, s5;
	s6 =	sshll.u32 @p0 s4, $0x11  }
0xaa: {  	s5 =	sor.u32 @p0 s6, s5  }
0xab: {  	[sflag:s5] =	ssyncadd.remote.s32 @p0 $0x1;
	_ =	sdelay $0x1  }
0xac: {  	s5 =	simm.s32 @p0 $0x1B8D  }
0xad: {  	_ =	swait.eq @p0 [sflag:s5], $0x1  }
0xae: {  	[sflag:s5] =	ssyncadd.s32 @p0 $0xFFFFFFFF  }
0xaf: {  	s6 =	sshll.u32 @!p0 s1, $0xE  }
0xb0: {  	s6 =	sor.u32 @!p0 $0x4000, s6;
	s5 =	simm.s32 @!p0 $0x1B8D  }
0xb1: {  	s4 =	sshll.u32 @!p0 s4, $0x11;
	s6 =	sadd.s32 @!p0 $0x11B8D, s6;
	_ =	swait.eq @!p0 [sflag:s5], $0x1  }
0xb2: {  	s4 =	sor.u32 @!p0 s4, s6;
	[sflag:s5] =	ssyncadd.s32 @!p0 $0xFFFFFFFF  }
0xb3: {  	s25 =	simm.s32 $0x1B8E;
	s24 =	sld [smem:$0x3FFE];
	[sflag:s4] =	ssyncadd.remote.s32 @!p0 $0x1  }
0xb4: {  	s26 =	simm.s32 $execute0_lowered;
	[smem:$0x3FD2] =	sst s25  }
0xb5: {  	s5 =	sshll.u32 s26, $0x1;
	_ =	strace $0x80000049;
	[dreg:$0x1] =	wrdreg $0xFFFFFFFF  }
0xb6: {  	s28 =	simm.s32 $_size_execute0_lowered;
	s3 =	sadd.s32 s3, s5;
	[dreg:$0x0] =	wrdreg $0x0  }
0xb7: {  	s5 =	sshll.u32 s28, $0x1;
	[dreg:$0x2] =	wrdreg s3  }
0xb8: {  	[dreg:$0x3] =	wrdreg s5  }
0xb9: {  	[dreg:$0x4] =	wrdreg $0xC0  }
0xba: {  	_ =	task [dreg:s22], $0x5FFFF  }
0xbb: {  	[dreg:$0x1] =	wrdreg $0xFFFFFFFF  }
0xbc: {  	[dreg:$0x0] =	wrdreg $0x60  }
0xbd: {  	[dreg:$0x2] =	wrdreg s24  }
0xbe: {  	[dreg:$0x3] =	wrdreg $0x9  }
0xbf: {  	_ =	task.clear_ibuf [dreg:s22], $0x4FFFF;
	_ =	strace $0x90000049  }
0xc0: {  	s29 =	simm.s32 $0x9;
	_ =	strace $0x8000004B  }
0xc1: {  	_ =	swait.ge [sflag:s29], $0x1  }
0xc2: {  	[sflag:s29] =	ssyncadd.s32 $0xFFFFFFFF  }
0xc3: {  	_ =	strace $0x9000004B  }
0xc4: {  	_ =	sfence  }
0xc5: {  	s30 =	sld [smem:$0x0];
	_ =	sdelay $0x2  }
0xc6: {  	s31 =	sshll.u32 s1, $0xD;
	s1 =	sshrl.u32 s1, $0x2  }
0xc7: {  	s4 =	sand.u32 $0x4000, s31;
	s1 =	sadd.s32 s1, s30  }
0xc8: {  	s0 =	sor.u32 s4, s0;
	s1 =	sshll.u32 s1, $0x11  }
0xc9: {  	s0 =	sor.u32 s1, s0  }
0xca: {  	s0 =	sadd.s32 $0x8F2B, s0  }
0xcb: {  	[sflag:s0] =	ssyncadd.remote.s32 $0x1  }
0xcc: {  	_ =	sfence.sel $0xFFFF  }
0xcd: {  	[dreg:$0x0] =	wrdreg $0xFFFFFFFF;
	(pc) =	sbr.abs _section_cstart, $3  }
0xce: {  	[dreg:$0x1] =	wrdreg $0xFFFFFFFF  }
0xcf: {  	_ =	task.clear_ibuf [dreg:s22], $0x2FFFF;
	_ =	strace $0x9FFFFFFF  }
0xd0: {  	(tm) =	ssettm $0x7FFFFFFF  }
0xd1: {  	_ =	shalt  }
tec
execute0_lowered:
.L_overlay_start_1:
0x0: {  	(tag) =	ssettag $0x1  }
0x1: {  	s1 =	srdreg.scid;
	s0 =	stileid.u32  }
0x2: {  	s3 =	rddreg [dreg:$0x0];
	s16 =	simm.s32 $0xA00;
	s17 =	simm.s32 $0x1200  }
0x3: {  	s18 =	simm.s32 $0x1A00;
	s19 =	simm.s32 $0x2200;
	s20 =	simm.s32 $0x2A00  }
0x4: {  	s21 =	simm.s32 $0x3200;
	s1 =	sand.u32 $0x1, s1;
	s2 =	sshll.u32 s0, $0x1  }
0x5: {  	s23 =	simm.s32 $0x3A00;
	s4 =	sor.u32 s1, s2;
	s2 =	simm.s32 $0x0  }
0x6: {  	s24 =	simm.s32 $0x4A00;
	s25 =	simm.s32 $0x5200;
	[smem:$0x7FF] =	sst s2  }
0x7: {  	s26 =	simm.s32 $0x5A00;
	_ =	strace $0x8000004A;
	[dreg:$0x7] =	wrdreg s16  }
0x8: {  	s6 =	simm.s32 $0x200;
	s7 =	simm.s32 $0x4200;
	[dreg:$0x8] =	wrdreg s17  }
0x9: {  	s9 =	simm.s32 $0x6A00;
	s10 =	simm.s32 $0x7200;
	[dreg:$0x9] =	wrdreg s18  }
0xa: {  	s11 =	simm.s32 $0x7A00;
	s12 =	simm.s32 $0x8200;
	[dreg:$0xa] =	wrdreg s19  }
0xb: {  	s28 =	simm.s32 $0xFA00;
	s29 =	simm.s32 $0x1;
	[dreg:$0xb] =	wrdreg s20  }
0xc: {  	s30 =	simm.s32 $0x2;
	s31 =	simm.s32 $0x3;
	[dreg:$0xc] =	wrdreg s21  }
0xd: {  	s1 =	ssub.s32 $0x2, s1;
	s5 =	sshll.u32 s4, $0x6;
	[dreg:$0xd] =	wrdreg s23  }
0xe: {  	s4 =	sshll.u32 s4, $0xD;
	s22 =	sshrl.u32 s1, $0x1;
	[dreg:$0xe] =	wrdreg s24  }
0xf: {  	s5 =	sadd.s32 s5, s3;
	s4 =	sadd.s32 s4, s3;
	[dreg:$0xf] =	wrdreg s25  }
0x10: {  	s3 =	sadd.s32 $0x54800, s3;
	s1 =	ssub.s32 s1, s22;
	[dreg:$0x10] =	wrdreg s26  }
0x11: {  	s16 =	simm.s32 $0xA200;
	s17 =	simm.s32 $0xAA00;
	s18 =	simm.s32 $0xB200  }
0x12: {  	s19 =	simm.s32 $0xBA00;
	s20 =	simm.s32 $0xC200;
	s5 =	sadd.s32 $0x75000, s5  }
0x13: {  	s21 =	simm.s32 $0xCA00;
	s13 =	sadd.s32 $0x75800, s4;
	[dreg:$0x2] =	wrdreg s5  }
0x14: {  	s22 =	simm.s32 $0xD200;
	s14 =	sadd.s32 $0x76000, s4;
	[dreg:$0x3] =	wrdreg s13  }
0x15: {  	s23 =	simm.s32 $0xDA00;
	s15 =	sadd.s32 $0x76800, s4;
	[dreg:$0x4] =	wrdreg s14  }
0x16: {  	s24 =	simm.s32 $0xE200;
	s4 =	sadd.s32 $0x77000, s4;
	[dreg:$0x5] =	wrdreg s15  }
0x17: {  	v2 =	vlaneseq.u32;
	s25 =	simm.s32 $0xEA00;
	s26 =	simm.s32 $0xF200;
	[dreg:$0x6] =	wrdreg s4  }
0x18: {  	vm0 =	vmmov $0xffff;
	v1 =	vshrl.u32 v2, $0x3;
	s4 =	smax.u32 s1, $0x1;
	s5 =	simm.s32 $0x5;
	s13 =	simm.s32 $0x8A00  }
0x19: {  	v0 =	vand.u32 $0x7, v2;
	v2 =	vor.u32 $0x8, v2;
	v1 =	vmul.u32 $0x8, v1;
	s14 =	simm.s32 $0x9200;
	s15 =	simm.s32 $0x9A00;
	s1 =	simm.s32 $0x4  }
.LBB2_1:
0x1a: {  	s0 =	rddreg [dreg:$0x2]  }
0x1b: {  	[tilespmem:s2], [sflag:$0x5] =	stream.linear.gather [hbm4b:s0+s2], $0x200, $0x38;
	[tilespmem:$0x10200] =	vst v63  }
0x1c: {  	_ =	swait.ge [sflag:s5], $0x200  }
0x1d: {  	[sflag:s5] =	ssyncset.done $0x0  }
0x1e: {  	[sflag:s5] =	ssyncadd.s32 $0xFFFFFE00  }
0x1f: {  	v3 =	vld [tilespmem:$0x0];
	_ =	sdelay $0x4  }
0x20: {  	v4 =	vshll.u32 v3, $0x1  }
0x21: {  	v3 =	vand.u32 $0x7, v3;
	v4 =	vand.u32 $0xFFFFFFF0, v4  }
0x22: {  	v3 =	vor.u32 v3, v4  }
0x23: {  	v4 =	vperm.xlane v3, v0;
	_ =	sdelay $0x1  }
0x24: {  	v3 =	vperm.xlane v3, v2;
	v4 =	vadd.s32 v1, v4;
	_ =	sdelay $0x1  }
0x25: {  	v3 =	vadd.s32 v1, v3;
	_ =	sdelay $0x2  }
0x26: {  	[tilespmem:s6], [sflag:$0x1] =	stream.indirect_vreg.gather [hbm4b:s3+s2], $0x80, v4, vm0, $0xb8;
	[tilespmem:$0x10200] =	vst v63  }
0x27: {  	s8 =	rddreg [dreg:$0x7]  }
0x28: {  	[tilespmem:s8], [sflag:$0x1] =	stream.indirect_vreg.gather [hbm4b:s3+s2], $0x80, v3, vm0, $0xb8;
	[tilespmem:$0x10200] =	vst v63  }
0x29: {  	v3 =	vld [tilespmem:$0x10];
	_ =	sdelay $0x4  }
0x2a: {  	v49 =	vshll.u32 v3, $0x1  }
0x2b: {  	v3 =	vand.u32 $0x7, v3;
	v4 =	vand.u32 $0xFFFFFFF0, v49  }
0x2c: {  	v3 =	vor.u32 v3, v4  }
0x2d: {  	v4 =	vperm.xlane v3, v0;
	_ =	sdelay $0x1  }
0x2e: {  	v3 =	vperm.xlane v3, v2;
	v4 =	vadd.s32 v1, v4;
	_ =	sdelay $0x1  }
0x2f: {  	v3 =	vadd.s32 v1, v3;
	_ =	sdelay $0x1  }
0x30: {  	s0 =	rddreg [dreg:$0x8]  }
0x31: {  	[tilespmem:s0], [sflag:$0x1] =	stream.indirect_vreg.gather [hbm4b:s3+s2], $0x80, v4, vm0, $0xb8;
	[tilespmem:$0x10200] =	vst v63  }
0x32: {  	s8 =	rddreg [dreg:$0x9]  }
0x33: {  	[tilespmem:s8], [sflag:$0x1] =	stream.indirect_vreg.gather [hbm4b:s3+s2], $0x80, v3, vm0, $0xb8;
	[tilespmem:$0x10200] =	vst v63  }
0x34: {  	v3 =	vld [tilespmem:$0x20];
	_ =	sdelay $0x4  }
0x35: {  	v50 =	vshll.u32 v3, $0x1  }
0x36: {  	v3 =	vand.u32 $0x7, v3;
	v4 =	vand.u32 $0xFFFFFFF0, v50  }
0x37: {  	v3 =	vor.u32 v3, v4  }
0x38: {  	v4 =	vperm.xlane v3, v0;
	_ =	sdelay $0x1  }
0x39: {  	v3 =	vperm.xlane v3, v2;
	v4 =	vadd.s32 v1, v4;
	_ =	sdelay $0x1  }
0x3a: {  	v3 =	vadd.s32 v1, v3;
	_ =	sdelay $0x1  }
0x3b: {  	s0 =	rddreg [dreg:$0xa]  }
0x3c: {  	[tilespmem:s0], [sflag:$0x1] =	stream.indirect_vreg.gather [hbm4b:s3+s2], $0x80, v4, vm0, $0xb8;
	[tilespmem:$0x10200] =	vst v63  }
0x3d: {  	s8 =	rddreg [dreg:$0xb]  }
0x3e: {  	[tilespmem:s8], [sflag:$0x1] =	stream.indirect_vreg.gather [hbm4b:s3+s2], $0x80, v3, vm0, $0xb8;
	[tilespmem:$0x10200] =	vst v63  }
0x3f: {  	v3 =	vld [tilespmem:$0x30];
	_ =	sdelay $0x4  }
0x40: {  	v51 =	vshll.u32 v3, $0x1  }
0x41: {  	v3 =	vand.u32 $0x7, v3;
	v4 =	vand.u32 $0xFFFFFFF0, v51  }
0x42: {  	v3 =	vor.u32 v3, v4  }
0x43: {  	v4 =	vperm.xlane v3, v0;
	_ =	sdelay $0x1  }
0x44: {  	v3 =	vperm.xlane v3, v2;
	v4 =	vadd.s32 v1, v4;
	_ =	sdelay $0x1  }
0x45: {  	v3 =	vadd.s32 v1, v3;
	_ =	sdelay $0x1  }
0x46: {  	s0 =	rddreg [dreg:$0xc]  }
0x47: {  	[tilespmem:s0], [sflag:$0x1] =	stream.indirect_vreg.gather [hbm4b:s3+s2], $0x80, v4, vm0, $0xb8;
	[tilespmem:$0x10200] =	vst v63  }
0x48: {  	s8 =	rddreg [dreg:$0xd]  }
0x49: {  	[tilespmem:s8], [sflag:$0x1] =	stream.indirect_vreg.gather [hbm4b:s3+s2], $0x80, v3, vm0, $0xb8;
	[tilespmem:$0x10200] =	vst v63  }
0x4a: {  	v3 =	vld [tilespmem:$0x80];
	_ =	sdelay $0x4  }
0x4b: {  	v52 =	vshll.u32 v3, $0x1  }
0x4c: {  	v3 =	vand.u32 $0x7, v3;
	v4 =	vand.u32 $0xFFFFFFF0, v52  }
0x4d: {  	v3 =	vor.u32 v3, v4  }
0x4e: {  	v4 =	vperm.xlane v3, v0;
	_ =	sdelay $0x1  }
0x4f: {  	v3 =	vperm.xlane v3, v2;
	v4 =	vadd.s32 v1, v4;
	_ =	sdelay $0x1  }
0x50: {  	v3 =	vadd.s32 v1, v3;
	_ =	sdelay $0x2  }
0x51: {  	[tilespmem:s7], [sflag:$0x2] =	stream.indirect_vreg.gather [hbm4b:s3+s2], $0x80, v4, vm0, $0xb8;
	[tilespmem:$0x10200] =	vst v63  }
0x52: {  	s8 =	rddreg [dreg:$0xe]  }
0x53: {  	[tilespmem:s8], [sflag:$0x2] =	stream.indirect_vreg.gather [hbm4b:s3+s2], $0x80, v3, vm0, $0xb8;
	[tilespmem:$0x10200] =	vst v63  }
0x54: {  	v3 =	vld [tilespmem:$0x90];
	_ =	sdelay $0x4  }
0x55: {  	v53 =	vshll.u32 v3, $0x1  }
0x56: {  	v3 =	vand.u32 $0x7, v3;
	v4 =	vand.u32 $0xFFFFFFF0, v53  }
0x57: {  	v3 =	vor.u32 v3, v4  }
0x58: {  	v4 =	vperm.xlane v3, v0;
	_ =	sdelay $0x1  }
0x59: {  	v3 =	vperm.xlane v3, v2;
	v4 =	vadd.s32 v1, v4;
	_ =	sdelay $0x1  }
0x5a: {  	v3 =	vadd.s32 v1, v3;
	_ =	sdelay $0x1  }
0x5b: {  	s0 =	rddreg [dreg:$0xf]  }
0x5c: {  	[tilespmem:s0], [sflag:$0x2] =	stream.indirect_vreg.gather [hbm4b:s3+s2], $0x80, v4, vm0, $0xb8;
	[tilespmem:$0x10200] =	vst v63  }
0x5d: {  	s8 =	rddreg [dreg:$0x10]  }
0x5e: {  	[tilespmem:s8], [sflag:$0x2] =	stream.indirect_vreg.gather [hbm4b:s3+s2], $0x80, v3, vm0, $0xb8;
	[tilespmem:$0x10200] =	vst v63  }
0x5f: {  	v3 =	vld [tilespmem:$0xA0];
	_ =	sdelay $0x4  }
0x60: {  	v54 =	vshll.u32 v3, $0x1  }
0x61: {  	v3 =	vand.u32 $0x7, v3;
	v4 =	vand.u32 $0xFFFFFFF0, v54  }
0x62: {  	v3 =	vor.u32 v3, v4  }
0x63: {  	v4 =	vperm.xlane v3, v0;
	_ =	sdelay $0x1  }
0x64: {  	v3 =	vperm.xlane v3, v2;
	v4 =	vadd.s32 v1, v4;
	_ =	sdelay $0x1  }
0x65: {  	v3 =	vadd.s32 v1, v3;
	_ =	sdelay $0x1  }
0x66: {  	s8 =	simm.s32 $0x6200  }
0x67: {  	[tilespmem:s8], [sflag:$0x2] =	stream.indirect_vreg.gather [hbm4b:s3+s2], $0x80, v4, vm0, $0xb8;
	[tilespmem:$0x10200] =	vst v63  }
0x68: {  	_ = 	snop  }
0x69: {  	[tilespmem:s9], [sflag:$0x2] =	stream.indirect_vreg.gather [hbm4b:s3+s2], $0x80, v3, vm0, $0xb8;
	[tilespmem:$0x10200] =	vst v63  }
0x6a: {  	v3 =	vld [tilespmem:$0xB0];
	_ =	sdelay $0x4  }
0x6b: {  	v55 =	vshll.u32 v3, $0x1  }
0x6c: {  	v3 =	vand.u32 $0x7, v3;
	v4 =	vand.u32 $0xFFFFFFF0, v55  }
0x6d: {  	v3 =	vor.u32 v3, v4  }
0x6e: {  	v4 =	vperm.xlane v3, v0;
	_ =	sdelay $0x1  }
0x6f: {  	v3 =	vperm.xlane v3, v2;
	v4 =	vadd.s32 v1, v4;
	_ =	sdelay $0x1  }
0x70: {  	v3 =	vadd.s32 v1, v3;
	_ =	sdelay $0x2  }
0x71: {  	[tilespmem:s10], [sflag:$0x2] =	stream.indirect_vreg.gather [hbm4b:s3+s2], $0x80, v4, vm0, $0xb8;
	[tilespmem:$0x10200] =	vst v63  }
0x72: {  	_ = 	snop  }
0x73: {  	[tilespmem:s11], [sflag:$0x2] =	stream.indirect_vreg.gather [hbm4b:s3+s2], $0x80, v3, vm0, $0xb8;
	[tilespmem:$0x10200] =	vst v63  }
0x74: {  	v3 =	vld [tilespmem:$0x100];
	_ =	sdelay $0x4  }
0x75: {  	v56 =	vshll.u32 v3, $0x1  }
0x76: {  	v3 =	vand.u32 $0x7, v3;
	v4 =	vand.u32 $0xFFFFFFF0, v56  }
0x77: {  	v3 =	vor.u32 v3, v4  }
0x78: {  	v4 =	vperm.xlane v3, v0;
	_ =	sdelay $0x1  }
0x79: {  	v3 =	vperm.xlane v3, v2;
	v4 =	vadd.s32 v1, v4;
	_ =	sdelay $0x1  }
0x7a: {  	v3 =	vadd.s32 v1, v3;
	_ =	sdelay $0x2  }
0x7b: {  	[tilespmem:s12], [sflag:$0x3] =	stream.indirect_vreg.gather [hbm4b:s3+s2], $0x80, v4, vm0, $0xb8;
	[tilespmem:$0x10200] =	vst v63  }
0x7c: {  	_ = 	snop  }
0x7d: {  	[tilespmem:s13], [sflag:$0x3] =	stream.indirect_vreg.gather [hbm4b:s3+s2], $0x80, v3, vm0, $0xb8;
	[tilespmem:$0x10200] =	vst v63  }
0x7e: {  	v3 =	vld [tilespmem:$0x110];
	_ =	sdelay $0x4  }
0x7f: {  	v57 =	vshll.u32 v3, $0x1  }
0x80: {  	v3 =	vand.u32 $0x7, v3;
	v4 =	vand.u32 $0xFFFFFFF0, v57  }
0x81: {  	v3 =	vor.u32 v3, v4  }
0x82: {  	v4 =	vperm.xlane v3, v0;
	_ =	sdelay $0x1  }
0x83: {  	v3 =	vperm.xlane v3, v2;
	v4 =	vadd.s32 v1, v4;
	_ =	sdelay $0x1  }
0x84: {  	v3 =	vadd.s32 v1, v3;
	_ =	sdelay $0x2  }
0x85: {  	[tilespmem:s14], [sflag:$0x3] =	stream.indirect_vreg.gather [hbm4b:s3+s2], $0x80, v4, vm0, $0xb8;
	[tilespmem:$0x10200] =	vst v63  }
0x86: {  	_ = 	snop  }
0x87: {  	[tilespmem:s15], [sflag:$0x3] =	stream.indirect_vreg.gather [hbm4b:s3+s2], $0x80, v3, vm0, $0xb8;
	[tilespmem:$0x10200] =	vst v63  }
0x88: {  	v3 =	vld [tilespmem:$0x120];
	_ =	sdelay $0x4  }
0x89: {  	v58 =	vshll.u32 v3, $0x1  }
0x8a: {  	v3 =	vand.u32 $0x7, v3;
	v4 =	vand.u32 $0xFFFFFFF0, v58  }
0x8b: {  	v3 =	vor.u32 v3, v4  }
0x8c: {  	v4 =	vperm.xlane v3, v0;
	_ =	sdelay $0x1  }
0x8d: {  	v3 =	vperm.xlane v3, v2;
	v4 =	vadd.s32 v1, v4;
	_ =	sdelay $0x1  }
0x8e: {  	v3 =	vadd.s32 v1, v3;
	_ =	sdelay $0x2  }
0x8f: {  	[tilespmem:s16], [sflag:$0x3] =	stream.indirect_vreg.gather [hbm4b:s3+s2], $0x80, v4, vm0, $0xb8;
	[tilespmem:$0x10200] =	vst v63  }
0x90: {  	_ = 	snop  }
0x91: {  	[tilespmem:s17], [sflag:$0x3] =	stream.indirect_vreg.gather [hbm4b:s3+s2], $0x80, v3, vm0, $0xb8;
	[tilespmem:$0x10200] =	vst v63  }
0x92: {  	v3 =	vld [tilespmem:$0x130];
	_ =	sdelay $0x4  }
0x93: {  	v59 =	vshll.u32 v3, $0x1  }
0x94: {  	v3 =	vand.u32 $0x7, v3;
	v4 =	vand.u32 $0xFFFFFFF0, v59  }
0x95: {  	v3 =	vor.u32 v3, v4  }
0x96: {  	v4 =	vperm.xlane v3, v0;
	_ =	sdelay $0x1  }
0x97: {  	v3 =	vperm.xlane v3, v2;
	v4 =	vadd.s32 v1, v4;
	_ =	sdelay $0x1  }
0x98: {  	v3 =	vadd.s32 v1, v3;
	_ =	sdelay $0x2  }
0x99: {  	[tilespmem:s18], [sflag:$0x3] =	stream.indirect_vreg.gather [hbm4b:s3+s2], $0x80, v4, vm0, $0xb8;
	[tilespmem:$0x10200] =	vst v63  }
0x9a: {  	_ = 	snop  }
0x9b: {  	[tilespmem:s19], [sflag:$0x3] =	stream.indirect_vreg.gather [hbm4b:s3+s2], $0x80, v3, vm0, $0xb8;
	[tilespmem:$0x10200] =	vst v63  }
0x9c: {  	v3 =	vld [tilespmem:$0x180];
	_ =	sdelay $0x4  }
0x9d: {  	v60 =	vshll.u32 v3, $0x1  }
0x9e: {  	v3 =	vand.u32 $0x7, v3;
	v4 =	vand.u32 $0xFFFFFFF0, v60  }
0x9f: {  	v3 =	vor.u32 v3, v4  }
0xa0: {  	v4 =	vperm.xlane v3, v0;
	_ =	sdelay $0x1  }
0xa1: {  	v3 =	vperm.xlane v3, v2;
	v4 =	vadd.s32 v1, v4;
	_ =	sdelay $0x1  }
0xa2: {  	v3 =	vadd.s32 v1, v3;
	_ =	sdelay $0x2  }
0xa3: {  	[tilespmem:s20], [sflag:$0x4] =	stream.indirect_vreg.gather [hbm4b:s3+s2], $0x80, v4, vm0, $0xb8;
	[tilespmem:$0x10200] =	vst v63  }
0xa4: {  	_ = 	snop  }
0xa5: {  	[tilespmem:s21], [sflag:$0x4] =	stream.indirect_vreg.gather [hbm4b:s3+s2], $0x80, v3, vm0, $0xb8;
	[tilespmem:$0x10200] =	vst v63  }
0xa6: {  	v3 =	vld [tilespmem:$0x190];
	_ =	sdelay $0x4  }
0xa7: {  	v61 =	vshll.u32 v3, $0x1  }
0xa8: {  	v3 =	vand.u32 $0x7, v3;
	v4 =	vand.u32 $0xFFFFFFF0, v61  }
0xa9: {  	v3 =	vor.u32 v3, v4  }
0xaa: {  	v4 =	vperm.xlane v3, v0;
	_ =	sdelay $0x1  }
0xab: {  	v3 =	vperm.xlane v3, v2;
	v4 =	vadd.s32 v1, v4;
	_ =	sdelay $0x1  }
0xac: {  	v3 =	vadd.s32 v1, v3;
	_ =	sdelay $0x2  }
0xad: {  	[tilespmem:s22], [sflag:$0x4] =	stream.indirect_vreg.gather [hbm4b:s3+s2], $0x80, v4, vm0, $0xb8;
	[tilespmem:$0x10200] =	vst v63  }
0xae: {  	_ = 	snop  }
0xaf: {  	[tilespmem:s23], [sflag:$0x4] =	stream.indirect_vreg.gather [hbm4b:s3+s2], $0x80, v3, vm0, $0xb8;
	[tilespmem:$0x10200] =	vst v63  }
0xb0: {  	v3 =	vld [tilespmem:$0x1A0];
	_ =	sdelay $0x4  }
0xb1: {  	v62 =	vshll.u32 v3, $0x1  }
0xb2: {  	v3 =	vand.u32 $0x7, v3;
	v4 =	vand.u32 $0xFFFFFFF0, v62  }
0xb3: {  	v3 =	vor.u32 v3, v4  }
0xb4: {  	v4 =	vperm.xlane v3, v0;
	_ =	sdelay $0x1  }
0xb5: {  	v3 =	vperm.xlane v3, v2;
	v4 =	vadd.s32 v1, v4;
	_ =	sdelay $0x1  }
0xb6: {  	v3 =	vadd.s32 v1, v3;
	_ =	sdelay $0x2  }
0xb7: {  	[tilespmem:s24], [sflag:$0x4] =	stream.indirect_vreg.gather [hbm4b:s3+s2], $0x80, v4, vm0, $0xb8;
	[tilespmem:$0x10200] =	vst v63  }
0xb8: {  	_ = 	snop  }
0xb9: {  	[tilespmem:s25], [sflag:$0x4] =	stream.indirect_vreg.gather [hbm4b:s3+s2], $0x80, v3, vm0, $0xb8;
	[tilespmem:$0x10200] =	vst v63  }
0xba: {  	v3 =	vld [tilespmem:$0x1B0];
	_ =	sdelay $0x4  }
0xbb: {  	v63 =	vshll.u32 v3, $0x1  }
0xbc: {  	v3 =	vand.u32 $0x7, v3;
	v4 =	vand.u32 $0xFFFFFFF0, v63  }
0xbd: {  	v3 =	vor.u32 v3, v4  }
0xbe: {  	v4 =	vperm.xlane v3, v0;
	_ =	sdelay $0x1  }
0xbf: {  	v3 =	vperm.xlane v3, v2;
	v4 =	vadd.s32 v1, v4;
	_ =	sdelay $0x1  }
0xc0: {  	v3 =	vadd.s32 v1, v3;
	_ =	sdelay $0x2  }
0xc1: {  	[tilespmem:s26], [sflag:$0x4] =	stream.indirect_vreg.gather [hbm4b:s3+s2], $0x80, v4, vm0, $0xb8;
	[tilespmem:$0x10200] =	vst v63  }
0xc2: {  	_ = 	snop  }
0xc3: {  	[tilespmem:s28], [sflag:$0x4] =	stream.indirect_vreg.gather [hbm4b:s3+s2], $0x80, v3, vm0, $0xb8;
	[tilespmem:$0x10200] =	vst v63  }
0xc4: {  	_ =	swait.ge [sflag:s29], $0x4000  }
0xc5: {  	[sflag:s29] =	ssyncset.done $0x0  }
0xc6: {  	s8 =	rddreg [dreg:$0x3];
	[sflag:s29] =	ssyncadd.s32 $0xFFFFC000  }
0xc7: {  	[hbm4b:s8+s2] =	stream.linear.scatter [tilespmem:s6], [sflag:$0x5], $0x4000, $0x38;
	[tilespmem:$0x10200] =	vst v63  }
0xc8: {  	_ =	swait.ge [sflag:s5], $0x4000  }
0xc9: {  	[sflag:s5] =	ssyncset.done $0x0  }
0xca: {  	[sflag:s5] =	ssyncadd.s32 $0xFFFFC000  }
0xcb: {  	_ =	swait.ge [sflag:s30], $0x4000  }
0xcc: {  	[sflag:s30] =	ssyncset.done $0x0  }
0xcd: {  	s8 =	rddreg [dreg:$0x4];
	[sflag:s30] =	ssyncadd.s32 $0xFFFFC000  }
0xce: {  	[hbm4b:s8+s2] =	stream.linear.scatter [tilespmem:s7], [sflag:$0x5], $0x4000, $0x38;
	[tilespmem:$0x10200] =	vst v63  }
0xcf: {  	_ =	swait.ge [sflag:s5], $0x4000  }
0xd0: {  	[sflag:s5] =	ssyncset.done $0x0  }
0xd1: {  	[sflag:s5] =	ssyncadd.s32 $0xFFFFC000  }
0xd2: {  	_ =	swait.ge [sflag:s31], $0x4000  }
0xd3: {  	[sflag:s31] =	ssyncset.done $0x0  }
0xd4: {  	s8 =	rddreg [dreg:$0x5];
	[sflag:s31] =	ssyncadd.s32 $0xFFFFC000  }
0xd5: {  	[hbm4b:s8+s2] =	stream.linear.scatter [tilespmem:s12], [sflag:$0x5], $0x4000, $0x38;
	[tilespmem:$0x10200] =	vst v63  }
0xd6: {  	_ =	swait.ge [sflag:s5], $0x4000  }
0xd7: {  	[sflag:s5] =	ssyncset.done $0x0  }
0xd8: {  	[sflag:s5] =	ssyncadd.s32 $0xFFFFC000  }
0xd9: {  	_ =	swait.ge [sflag:s1], $0x4000  }
0xda: {  	p0 =	sne.s32 s4, $0x1;
	[sflag:s1] =	ssyncset.done $0x0  }
.Ltmp0:
0xdb: {  	s8 =	rddreg [dreg:$0x6];
	[sflag:s1] =	ssyncadd.s32 $0xFFFFC000;
	(pc) =	sbr.rel @p0 .LBB2_1-.Ltmp0, $4  }
0xdc: {  	[hbm4b:s8+s2] =	stream.linear.scatter [tilespmem:s20], [sflag:$0x5], $0x4000, $0x38;
	[tilespmem:$0x10200] =	vst v63  }
0xdd: {  	_ =	swait.ge [sflag:s5], $0x4000  }
0xde: {  	[sflag:s5] =	ssyncset.done $0x0  }
0xdf: {  	s4 =	sadd.s32 $0xFFFFFFFF, s4;
	[sflag:s5] =	ssyncadd.s32 $0xFFFFC000  }
0xe0: {  	_ =	sfence.sel $0x180000  }
0xe1: {  	[bflag:$0x0] =	sbarrier.arrive $0xFFFF  }
0xe2: {  	_ =	strace $0x9000004A  }
0xe3: {  	s0 =	stileid.u32;
	[bflag:$0x2] =	sbarrier.arrive $0xFFFF  }
0xe4: {  	p0 =	sne.s32 s0, $0x0;
	s0 =	rddreg [dreg:$0x1]  }
0xe5: {  	s0 =	sadd.s32 @!p0 $0x100000, s0  }
0xe6: {  	[sflag:s0] =	ssyncadd.tile.s32 @!p0 $0x1;
	_ =	shalt  }
.Lfunc_end2:
_tile_overlayer_lowered:
.L_overlay_start_2:
0xe7: {  	(tag) =	ssettag $0x2  }
0xe8: {  	s0 =	rddreg [dreg:$0x0];
	s2 =	stileid.u32  }
0xe9: {  	s1 =	rddreg [dreg:$0x1];
	p0 =	sne.s32 s2, $0x0  }
0xea: {  	s3 =	rddreg [dreg:$0x2];
	[bflag:$0x3] =	sbarrier.arrive $0xFFFF;
	s2 =	simm.s32 @!p0 $0x1C05  }
0xeb: {  	[timem:s3], [sflag:s2] =	dma.local @!p0 [hbm:s0], s1  }
0xec: {  	s0 =	simm.s32 @!p0 $0x5  }
0xed: {  	_ =	swait.ge @!p0 [sflag:s0], s1  }
0xee: {  	s1 =	ssub.s32 @!p0 $0x0, s1;
	[sflag:s0] =	ssyncset.done @!p0 $0x0  }
0xef: {  	[sflag:s0] =	ssyncadd.s32 @!p0 s1  }
0xf0: {  	[bflag:$0x3] =	sbarrier.arrive $0xFFFF  }
0xf1: {  	_ =	shalt  }

// kernel: kernel.9.cloned.1.call-start
scs
__scs_entry_jumppad:
0x0: {  	(pc) =	sbr.rel $0x88, $3  }
0x1: {  	(tag) =	ssettag $0x0;
	lr =	simm.s32 $0x1  }
0x2: {  	[smem:$0x3F7C] =	sst lr;
	_ =	strace $0xD0000000  }
0x3: {  	_ = 	snop  }
0x4: {  	_ = 	snop  }
0x5: {  	_ = 	snop  }
0x6: {  	_ = 	snop  }
0x7: {  	_ = 	snop  }
__scs_overlays_trampoline_lowered:
0x8: {  	[smem:$0x3F8B] =	sst s0  }
0x9: {  	[smem:$0x3F8C] =	sst s1  }
0xa: {  	[smem:$0x3F8D] =	sst s2  }
0xb: {  	[smem:$0x3F8E] =	sst s3  }
0xc: {  	[smem:$0x3F8F] =	sst s4  }
0xd: {  	[smem:$0x3F90] =	sst s5  }
0xe: {  	[smem:$0x3F91] =	sst s6  }
0xf: {  	[smem:$0x3F92] =	sst s7  }
0x10: {  	[smem:$0x3F93] =	sst s8  }
0x11: {  	[smem:$0x3F94] =	sst s9;
	s0 =	simm.s32 @!p0 $0x0  }
0x12: {  	s1 =	sld [smem:$0x3F7A];
	s0 =	simm.s32 @p0 $0x1  }
0x13: {  	[smem:$0x3F95] =	sst s0;
	s0 =	simm.s32 @!p1 $0x0  }
0x14: {  	s2 =	sld [smem:$0x3F79];
	s0 =	simm.s32 @p1 $0x1  }
0x15: {  	[smem:$0x3F96] =	sst s0;
	s0 =	simm.s32 @!p2 $0x0  }
0x16: {  	s3 =	sld [smem:$0x3FDB];
	s0 =	simm.s32 @p2 $0x1  }
0x17: {  	s4 =	simm.s32 $0x1BF5;
	[smem:$0x3F98] =	sst s0  }
0x18: {  	s0 =	sld [smem:$0x3F7B];
	_ =	swait.ge [sflag:s4], $0x0  }
0x19: {  	s7 =	sld [smem:$0x3F7C]  }
0x1a: {  	s8 =	sadd.s32 $0xFFFFE003, lr  }
0x1b: {  	s9 =	sadd.s32 $0xFFFFFEF7, lr;
	s5 =	simm.s32 $0xFFFFFFFF;
	p2 =	slt.u32 s8, $0xFFFFF086  }
0x1c: {  	p1 =	slt.u32 s9, $0xF7A;
	s5 =	simm.s32 @!p2 $0x0  }
0x1d: {  	s5 =	simm.s32 @p1 $0x1;
	p0 =	seq.s32 s7, s2  }
0x1e: {  	s7 =	smul.u32 @!p0 $0xF7A, s2;
	p2 =	seq.s32 @!p0 s5, $0x0  }
0x1f: {  	s9 =	smul.u32 $0xF7A, s1;
	s8 =	simm.s32 @!p0 $0x1BF5;
	p2 =	por !p2, p0  }
0x20: {  	[sflag:s8] =	ssyncset.s32 @!p0 $0xFFFFF086;
	s6 =	sadd.s32 @!p0 s3, s7;
	s7 =	simm.s32 @!p0 $0x108  }
0x21: {  	s3 =	sadd.s32 s3, s9;
	s6 =	sadd.s32 @!p0 $0x88, s6;
	s7 =	simm.s32 @p2 $0x1082  }
0x22: {  	[simem:s7], [sflag:s8] =	dma.local @!p0 [hbm:s6], $0xF7A  }
0x23: {  	s9 =	sor.u32 $0xD0000000, s2;
	s6 =	simm.s32 $0x108;
	_ =	swait.ge @!p0 [sflag:s8], $0x0  }
0x24: {  	s3 =	sadd.s32 $0x88, s3;
	s6 =	simm.s32 @!p1 $0x1082;
	[sflag:s4] =	ssyncset.s32 $0xFFFFF086  }
0x25: {  	[simem:s6], [sflag:s4] =	dma.local [hbm:s3], $0xF7A  }
0x26: {  	[smem:$0x3F7C] =	sst s1;
	(tag) =	ssettag s2;
	_ =	strace s9  }
0x27: {  	s1 =	sld [smem:$0x3F8C]  }
0x28: {  	s2 =	sld [smem:$0x3F8D]  }
0x29: {  	s4 =	sld [smem:$0x3F8F]  }
0x2a: {  	p0 =	seq.s32 s5, $0x0;
	s5 =	sld [smem:$0x3F90]  }
0x2b: {  	s6 =	sld [smem:$0x3F91]  }
0x2c: {  	s7 =	sld [smem:$0x3F92]  }
0x2d: {  	s3 =	simm.s32 $0x108;
	s8 =	sld [smem:$0x3F93]  }
0x2e: {  	s3 =	simm.s32 @!p0 $0x1082;
	s9 =	sld [smem:$0x3F94]  }
0x2f: {  	lr =	sadd.s32 s0, s3;
	s0 =	sld [smem:$0x3F8B]  }
0x30: {  	s3 =	sld [smem:$0x3F8E]  }
0x31: {  	[smem:$0x3F97] =	sst s10  }
0x32: {  	s10 =	sld [smem:$0x3F95];
	_ =	sdelay $0x3  }
0x33: {  	p0 =	seq.s32 s10, $0x1;
	s10 =	sld [smem:$0x3F97];
	_ =	sdelay $0x3  }
0x34: {  	[smem:$0x3F97] =	sst s10  }
0x35: {  	s10 =	sld [smem:$0x3F96];
	_ =	sdelay $0x3  }
0x36: {  	p1 =	seq.s32 s10, $0x1;
	s10 =	sld [smem:$0x3F97];
	_ =	sdelay $0x3  }
0x37: {  	[smem:$0x3F97] =	sst s10  }
0x38: {  	s10 =	sld [smem:$0x3F98]  }
0x39: {  	_ = 	snop;
	(pc) =	sbr.ind lr, $3  }
0x3a: {  	_ = 	snop  }
0x3b: {  	_ = 	snop  }
0x3c: {  	p2 =	seq.s32 s10, $0x1;
	s10 =	sld [smem:$0x3F97]  }
0x3d: {  	_ =	shalt  }
0x3e: {  	_ =	shalt  }
0x3f: {  	_ =	shalt  }
0x40: {  	_ =	shalt  }
0x41: {  	_ =	shalt  }
0x42: {  	_ =	shalt  }
0x43: {  	_ =	shalt  }
0x44: {  	_ =	shalt  }
0x45: {  	_ =	shalt  }
0x46: {  	_ =	shalt  }
0x47: {  	_ =	shalt  }
0x48: {  	_ =	shalt  }
0x49: {  	_ =	shalt  }
0x4a: {  	_ =	shalt  }
0x4b: {  	_ =	shalt  }
0x4c: {  	_ =	shalt  }
0x4d: {  	_ =	shalt  }
0x4e: {  	_ =	shalt  }
0x4f: {  	_ =	shalt  }
0x50: {  	_ =	shalt  }
0x51: {  	_ =	shalt  }
0x52: {  	_ =	shalt  }
0x53: {  	_ =	shalt  }
0x54: {  	_ =	shalt  }
0x55: {  	_ =	shalt  }
0x56: {  	_ =	shalt  }
0x57: {  	_ =	shalt  }
0x58: {  	_ =	shalt  }
0x59: {  	_ =	shalt  }
0x5a: {  	_ =	shalt  }
0x5b: {  	_ =	shalt  }
0x5c: {  	_ =	shalt  }
0x5d: {  	_ =	shalt  }
0x5e: {  	_ =	shalt  }
0x5f: {  	_ =	shalt  }
0x60: {  	_ =	shalt  }
0x61: {  	_ =	shalt  }
0x62: {  	_ =	shalt  }
0x63: {  	_ =	shalt  }
0x64: {  	_ =	shalt  }
0x65: {  	_ =	shalt  }
0x66: {  	_ =	shalt  }
0x67: {  	_ =	shalt  }
0x68: {  	_ =	shalt  }
0x69: {  	_ =	shalt  }
0x6a: {  	_ =	shalt  }
0x6b: {  	_ =	shalt  }
0x6c: {  	_ =	shalt  }
0x6d: {  	_ =	shalt  }
0x6e: {  	_ =	shalt  }
0x6f: {  	_ =	shalt  }
0x70: {  	_ =	shalt  }
0x71: {  	_ =	shalt  }
0x72: {  	_ =	shalt  }
0x73: {  	_ =	shalt  }
0x74: {  	_ =	shalt  }
0x75: {  	_ =	shalt  }
0x76: {  	_ =	shalt  }
0x77: {  	_ =	shalt  }
0x78: {  	_ =	shalt  }
0x79: {  	_ =	shalt  }
0x7a: {  	_ =	shalt  }
0x7b: {  	_ =	shalt  }
0x7c: {  	_ =	shalt  }
0x7d: {  	_ =	shalt  }
0x7e: {  	_ =	shalt  }
0x7f: {  	_ =	shalt  }
0x80: {  	_ =	shalt  }
0x81: {  	_ =	shalt  }
0x82: {  	_ =	shalt  }
0x83: {  	_ =	shalt  }
0x84: {  	_ =	shalt  }
0x85: {  	_ =	shalt  }
0x86: {  	_ =	shalt  }
0x87: {  	_ =	shalt  }
.Lfunc_end0:
.L_simem_size_0:
called_computation.1_lowered:
.L_overlay_start_0:
0x88: {  	s2 =	sld [smem:$0x3FD9]  }
0x89: {  	s3 =	sld [smem:$0x3FFE];
	_ =	sdelay $0x1  }
0x8a: {  	s1 =	srdreg.scid  }
0x8b: {  	s0 =	sand.u32 $0x1, s1  }
0x8c: {  	s14 =	sshll.u32 s0, $0xA;
	s2 =	sadd.s32 s3, s2  }
0x8d: {  	s2 =	sadd.s32 s2, s14  }
0x8e: {  	[smem:$0x3FA3] =	sst s2  }
0x8f: {  	_ = 	snop  }
0x90: {  	s2 =	sld [smem:$0x3FD0];
	_ =	sdelay $0x2  }
0x91: {  	s15 =	simm.s32 $0xB;
	s4 =	simm.s32 $0x10  }
0x92: {  	[smem:s4], [sflag:s15] =	dma.local [hbm:s2], $0x1  }
0x93: {  	_ =	swait.eq [sflag:s15], $0x1  }
0x94: {  	[sflag:s15] =	ssyncset.done $0x0  }
0x95: {  	[sflag:s15] =	ssyncadd.s32 $0xFFFFFFFF  }
0x96: {  	s16 =	sld [smem:$0x10];
	(tm) =	ssettm $0x1  }
0x97: {  	s17 =	sld [smem:$0x3FFB];
	_ =	sdelay $0x3  }
0x98: {  	_ =	strace s17  }
0x99: {  	s3 =	sld [smem:$0x3FFC];
	_ =	sdelay $0x3  }
0x9a: {  	_ =	strace s3  }
0x9b: {  	s3 =	sld [smem:$0x3FFD];
	_ =	sdelay $0x3  }
0x9c: {  	_ =	strace s3  }
0x9d: {  	_ =	strace $0x8FFFFFFF  }
0x9e: {  	s18 =	sld [smem:$0x3FDB];
	_ =	sdelay $0x1  }
0x9f: {  	s19 =	simm.s32 $_scs_section_size  }
0xa0: {  	s5 =	simm.s32 $_size__tile_overlayer_lowered;
	s6 =	simm.s32 $_tile_overlayer_lowered  }
0xa1: {  	s22 =	simm.s32 $0x1BFF;
	s21 =	sshll.u32 s6, $0x1;
	s3 =	sadd.s32 s19, s18  }
0xa2: {  	s7 =	simm.s32 $0x0;
	s20 =	sshll.u32 s5, $0x1;
	s5 =	sadd.s32 s21, s3  }
0xa3: {  	[timem:s7], [sflag:s22] =	dma.local [hbm:s5], s20  }
0xa4: {  	_ =	swait.ge [sflag:s22], s20  }
0xa5: {  	s4 =	ssub.s32 $0x0, s20;
	[sflag:s22] =	ssyncset.done $0x0  }
0xa6: {  	[sflag:s22] =	ssyncadd.s32 s4;
	_ =	sdelay $0x1  }
0xa7: {  	s23 =	simm.s32 $0x1B8B  }
0xa8: {  	_ =	swait.ge [sflag:s23], $0x1  }
0xa9: {  	[sflag:s23] =	ssyncset.done $0x0  }
0xaa: {  	s25 =	simm.s32 $0x1B8E;
	s24 =	sld [smem:$0x3FFE];
	[sflag:s23] =	ssyncadd.s32 $0xFFFFFFFF  }
0xab: {  	s26 =	simm.s32 $execute0_lowered;
	[smem:$0x3FD2] =	sst s25  }
0xac: {  	s5 =	sshll.u32 s26, $0x1;
	_ =	strace $0x80000046;
	[dreg:$0x1] =	wrdreg $0xFFFFFFFF  }
0xad: {  	s28 =	simm.s32 $_size_execute0_lowered;
	s3 =	sadd.s32 s3, s5;
	[dreg:$0x0] =	wrdreg $0x0  }
0xae: {  	s5 =	sshll.u32 s28, $0x1;
	[dreg:$0x2] =	wrdreg s3  }
0xaf: {  	[dreg:$0x3] =	wrdreg s5  }
0xb0: {  	[dreg:$0x4] =	wrdreg $0xC0  }
0xb1: {  	_ =	task [dreg:s7], $0x5FFFF  }
0xb2: {  	[dreg:$0x1] =	wrdreg $0xFFFFFFFF  }
0xb3: {  	[dreg:$0x0] =	wrdreg $0x60  }
0xb4: {  	[dreg:$0x2] =	wrdreg s16  }
0xb5: {  	[dreg:$0x3] =	wrdreg s24  }
0xb6: {  	[dreg:$0x4] =	wrdreg $0xA  }
0xb7: {  	_ =	task.clear_ibuf [dreg:s7], $0x5FFFF;
	_ =	strace $0x90000046  }
0xb8: {  	s29 =	simm.s32 $0xA;
	_ =	strace $0x80000048  }
0xb9: {  	_ =	swait.ge [sflag:s29], $0x1  }
0xba: {  	[sflag:s29] =	ssyncadd.s32 $0xFFFFFFFF  }
0xbb: {  	_ =	strace $0x90000048  }
0xbc: {  	_ =	sfence  }
0xbd: {  	s30 =	sld [smem:$0x0];
	_ =	sdelay $0x2  }
0xbe: {  	s31 =	sshll.u32 s1, $0xD;
	s1 =	sshrl.u32 s1, $0x2  }
0xbf: {  	s3 =	sand.u32 $0x4000, s31;
	s1 =	sadd.s32 s1, s30  }
0xc0: {  	s0 =	sor.u32 s3, s0;
	s1 =	sshll.u32 s1, $0x11  }
0xc1: {  	s0 =	sor.u32 s1, s0  }
0xc2: {  	s0 =	sadd.s32 $0x8F2B, s0  }
0xc3: {  	[sflag:s0] =	ssyncadd.remote.s32 $0x1  }
0xc4: {  	_ =	sfence.sel $0xFFFF  }
0xc5: {  	[dreg:$0x0] =	wrdreg $0xFFFFFFFF;
	(pc) =	sbr.abs _section_cstart, $3  }
0xc6: {  	[dreg:$0x1] =	wrdreg $0xFFFFFFFF  }
0xc7: {  	_ =	task.clear_ibuf [dreg:s7], $0x2FFFF;
	_ =	strace $0x9FFFFFFF  }
0xc8: {  	(tm) =	ssettm $0x7FFFFFFF  }
0xc9: {  	_ =	shalt  }
tec
execute0_lowered:
.L_overlay_start_1:
0x0: {  	(tag) =	ssettag $0x1  }
0x1: {  	s1 =	srdreg.scid;
	s2 =	rddreg [dreg:$0x0]  }
0x2: {  	s0 =	stileid.u32;
	s4 =	rddreg [dreg:$0x1];
	s16 =	simm.s32 $0xA00  }
0x3: {  	s17 =	simm.s32 $0x1200;
	s18 =	simm.s32 $0x1A00;
	s19 =	simm.s32 $0x2200  }
0x4: {  	s20 =	simm.s32 $0x2A00;
	s1 =	sand.u32 $0x1, s1;
	s3 =	sshll.u32 s0, $0x1  }
0x5: {  	s21 =	simm.s32 $0x3200;
	s5 =	sor.u32 s1, s3;
	s3 =	simm.s32 $0x0  }
0x6: {  	s23 =	simm.s32 $0x3A00;
	s24 =	simm.s32 $0x4A00;
	[smem:$0x7FF] =	sst s3  }
0x7: {  	s25 =	simm.s32 $0x5200;
	_ =	strace $0x80000047;
	[dreg:$0x8] =	wrdreg s16  }
0x8: {  	s26 =	simm.s32 $0x5A00;
	s7 =	simm.s32 $0x4200;
	[dreg:$0x9] =	wrdreg s17  }
0x9: {  	s9 =	simm.s32 $0x6A00;
	s10 =	simm.s32 $0x7200;
	[dreg:$0xa] =	wrdreg s18  }
0xa: {  	s11 =	simm.s32 $0x7A00;
	s28 =	simm.s32 $0xFA00;
	[dreg:$0xb] =	wrdreg s19  }
0xb: {  	s29 =	simm.s32 $0x1;
	s30 =	simm.s32 $0x2;
	[dreg:$0xc] =	wrdreg s20  }
0xc: {  	s31 =	simm.s32 $0x3;
	s1 =	ssub.s32 $0x2, s1;
	[dreg:$0xd] =	wrdreg s21  }
0xd: {  	s6 =	sshll.u32 s5, $0x6;
	s5 =	sshll.u32 s5, $0xD;
	[dreg:$0xe] =	wrdreg s23  }
0xe: {  	s22 =	sshrl.u32 s1, $0x1;
	s6 =	sadd.s32 s6, s4;
	[dreg:$0xf] =	wrdreg s24  }
0xf: {  	s4 =	sadd.s32 s5, s4;
	s1 =	ssub.s32 s1, s22;
	[dreg:$0x10] =	wrdreg s25  }
0x10: {  	s5 =	simm.s32 $0x5;
	[dreg:$0x11] =	wrdreg s26;
	s16 =	simm.s32 $0xA200  }
0x11: {  	s17 =	simm.s32 $0xAA00;
	s18 =	simm.s32 $0xB200;
	s19 =	simm.s32 $0xBA00  }
0x12: {  	s20 =	simm.s32 $0xC200;
	s21 =	simm.s32 $0xCA00;
	s12 =	sadd.s32 $0x14000, s6  }
0x13: {  	s22 =	simm.s32 $0xD200;
	s13 =	sadd.s32 $0x14800, s4;
	[dreg:$0x3] =	wrdreg s12  }
0x14: {  	s23 =	simm.s32 $0xDA00;
	s14 =	sadd.s32 $0x15000, s4;
	[dreg:$0x4] =	wrdreg s13  }
0x15: {  	s24 =	simm.s32 $0xE200;
	s15 =	sadd.s32 $0x15800, s4;
	[dreg:$0x5] =	wrdreg s14  }
0x16: {  	s25 =	simm.s32 $0xEA00;
	s4 =	sadd.s32 $0x16000, s4;
	[dreg:$0x6] =	wrdreg s15  }
0x17: {  	v2 =	vlaneseq.u32;
	s26 =	simm.s32 $0xF200;
	s6 =	simm.s32 $0x200;
	[dreg:$0x7] =	wrdreg s4  }
0x18: {  	vm0 =	vmmov $0xffff;
	v1 =	vshrl.u32 v2, $0x3;
	s4 =	smax.u32 s1, $0x1;
	s12 =	simm.s32 $0x8200;
	s13 =	simm.s32 $0x8A00  }
0x19: {  	v0 =	vand.u32 $0x7, v2;
	v2 =	vor.u32 $0x8, v2;
	v1 =	vmul.u32 $0x8, v1;
	s14 =	simm.s32 $0x9200;
	s15 =	simm.s32 $0x9A00;
	s1 =	simm.s32 $0x4  }
.LBB2_1:
0x1a: {  	s0 =	rddreg [dreg:$0x3]  }
0x1b: {  	[tilespmem:s3], [sflag:$0x5] =	stream.linear.gather [hbm4b:s0+s3], $0x200, $0x38;
	[tilespmem:$0x10200] =	vst v63  }
0x1c: {  	_ =	swait.ge [sflag:s5], $0x200  }
0x1d: {  	[sflag:s5] =	ssyncset.done $0x0  }
0x1e: {  	[sflag:s5] =	ssyncadd.s32 $0xFFFFFE00  }
0x1f: {  	v3 =	vld [tilespmem:$0x0];
	_ =	sdelay $0x4  }
0x20: {  	v4 =	vshll.u32 v3, $0x1  }
0x21: {  	v3 =	vand.u32 $0x7, v3;
	v4 =	vand.u32 $0xFFFFFFF0, v4  }
0x22: {  	v3 =	vor.u32 v3, v4  }
0x23: {  	v4 =	vperm.xlane v3, v0;
	_ =	sdelay $0x1  }
0x24: {  	v3 =	vperm.xlane v3, v2;
	v4 =	vadd.s32 v1, v4;
	_ =	sdelay $0x1  }
0x25: {  	v3 =	vadd.s32 v1, v3;
	_ =	sdelay $0x2  }
0x26: {  	[tilespmem:s6], [sflag:$0x1] =	stream.indirect_vreg.gather [hbm4b:s2+s3], $0x80, v4, vm0, $0xb8;
	[tilespmem:$0x10200] =	vst v63  }
0x27: {  	s8 =	rddreg [dreg:$0x8]  }
0x28: {  	[tilespmem:s8], [sflag:$0x1] =	stream.indirect_vreg.gather [hbm4b:s2+s3], $0x80, v3, vm0, $0xb8;
	[tilespmem:$0x10200] =	vst v63  }
0x29: {  	v3 =	vld [tilespmem:$0x10];
	_ =	sdelay $0x4  }
0x2a: {  	v49 =	vshll.u32 v3, $0x1  }
0x2b: {  	v3 =	vand.u32 $0x7, v3;
	v4 =	vand.u32 $0xFFFFFFF0, v49  }
0x2c: {  	v3 =	vor.u32 v3, v4  }
0x2d: {  	v4 =	vperm.xlane v3, v0;
	_ =	sdelay $0x1  }
0x2e: {  	v3 =	vperm.xlane v3, v2;
	v4 =	vadd.s32 v1, v4;
	_ =	sdelay $0x1  }
0x2f: {  	v3 =	vadd.s32 v1, v3;
	_ =	sdelay $0x1  }
0x30: {  	s0 =	rddreg [dreg:$0x9]  }
0x31: {  	[tilespmem:s0], [sflag:$0x1] =	stream.indirect_vreg.gather [hbm4b:s2+s3], $0x80, v4, vm0, $0xb8;
	[tilespmem:$0x10200] =	vst v63  }
0x32: {  	s8 =	rddreg [dreg:$0xa]  }
0x33: {  	[tilespmem:s8], [sflag:$0x1] =	stream.indirect_vreg.gather [hbm4b:s2+s3], $0x80, v3, vm0, $0xb8;
	[tilespmem:$0x10200] =	vst v63  }
0x34: {  	v3 =	vld [tilespmem:$0x20];
	_ =	sdelay $0x4  }
0x35: {  	v50 =	vshll.u32 v3, $0x1  }
0x36: {  	v3 =	vand.u32 $0x7, v3;
	v4 =	vand.u32 $0xFFFFFFF0, v50  }
0x37: {  	v3 =	vor.u32 v3, v4  }
0x38: {  	v4 =	vperm.xlane v3, v0;
	_ =	sdelay $0x1  }
0x39: {  	v3 =	vperm.xlane v3, v2;
	v4 =	vadd.s32 v1, v4;
	_ =	sdelay $0x1  }
0x3a: {  	v3 =	vadd.s32 v1, v3;
	_ =	sdelay $0x1  }
0x3b: {  	s0 =	rddreg [dreg:$0xb]  }
0x3c: {  	[tilespmem:s0], [sflag:$0x1] =	stream.indirect_vreg.gather [hbm4b:s2+s3], $0x80, v4, vm0, $0xb8;
	[tilespmem:$0x10200] =	vst v63  }
0x3d: {  	s8 =	rddreg [dreg:$0xc]  }
0x3e: {  	[tilespmem:s8], [sflag:$0x1] =	stream.indirect_vreg.gather [hbm4b:s2+s3], $0x80, v3, vm0, $0xb8;
	[tilespmem:$0x10200] =	vst v63  }
0x3f: {  	v3 =	vld [tilespmem:$0x30];
	_ =	sdelay $0x4  }
0x40: {  	v51 =	vshll.u32 v3, $0x1  }
0x41: {  	v3 =	vand.u32 $0x7, v3;
	v4 =	vand.u32 $0xFFFFFFF0, v51  }
0x42: {  	v3 =	vor.u32 v3, v4  }
0x43: {  	v4 =	vperm.xlane v3, v0;
	_ =	sdelay $0x1  }
0x44: {  	v3 =	vperm.xlane v3, v2;
	v4 =	vadd.s32 v1, v4;
	_ =	sdelay $0x1  }
0x45: {  	v3 =	vadd.s32 v1, v3;
	_ =	sdelay $0x1  }
0x46: {  	s0 =	rddreg [dreg:$0xd]  }
0x47: {  	[tilespmem:s0], [sflag:$0x1] =	stream.indirect_vreg.gather [hbm4b:s2+s3], $0x80, v4, vm0, $0xb8;
	[tilespmem:$0x10200] =	vst v63  }
0x48: {  	s8 =	rddreg [dreg:$0xe]  }
0x49: {  	[tilespmem:s8], [sflag:$0x1] =	stream.indirect_vreg.gather [hbm4b:s2+s3], $0x80, v3, vm0, $0xb8;
	[tilespmem:$0x10200] =	vst v63  }
0x4a: {  	v3 =	vld [tilespmem:$0x80];
	_ =	sdelay $0x4  }
0x4b: {  	v52 =	vshll.u32 v3, $0x1  }
0x4c: {  	v3 =	vand.u32 $0x7, v3;
	v4 =	vand.u32 $0xFFFFFFF0, v52  }
0x4d: {  	v3 =	vor.u32 v3, v4  }
0x4e: {  	v4 =	vperm.xlane v3, v0;
	_ =	sdelay $0x1  }
0x4f: {  	v3 =	vperm.xlane v3, v2;
	v4 =	vadd.s32 v1, v4;
	_ =	sdelay $0x1  }
0x50: {  	v3 =	vadd.s32 v1, v3;
	_ =	sdelay $0x2  }
0x51: {  	[tilespmem:s7], [sflag:$0x2] =	stream.indirect_vreg.gather [hbm4b:s2+s3], $0x80, v4, vm0, $0xb8;
	[tilespmem:$0x10200] =	vst v63  }
0x52: {  	s8 =	rddreg [dreg:$0xf]  }
0x53: {  	[tilespmem:s8], [sflag:$0x2] =	stream.indirect_vreg.gather [hbm4b:s2+s3], $0x80, v3, vm0, $0xb8;
	[tilespmem:$0x10200] =	vst v63  }
0x54: {  	v3 =	vld [tilespmem:$0x90];
	_ =	sdelay $0x4  }
0x55: {  	v53 =	vshll.u32 v3, $0x1  }
0x56: {  	v3 =	vand.u32 $0x7, v3;
	v4 =	vand.u32 $0xFFFFFFF0, v53  }
0x57: {  	v3 =	vor.u32 v3, v4  }
0x58: {  	v4 =	vperm.xlane v3, v0;
	_ =	sdelay $0x1  }
0x59: {  	v3 =	vperm.xlane v3, v2;
	v4 =	vadd.s32 v1, v4;
	_ =	sdelay $0x1  }
0x5a: {  	v3 =	vadd.s32 v1, v3;
	_ =	sdelay $0x1  }
0x5b: {  	s0 =	rddreg [dreg:$0x10]  }
0x5c: {  	[tilespmem:s0], [sflag:$0x2] =	stream.indirect_vreg.gather [hbm4b:s2+s3], $0x80, v4, vm0, $0xb8;
	[tilespmem:$0x10200] =	vst v63  }
0x5d: {  	s8 =	rddreg [dreg:$0x11]  }
0x5e: {  	[tilespmem:s8], [sflag:$0x2] =	stream.indirect_vreg.gather [hbm4b:s2+s3], $0x80, v3, vm0, $0xb8;
	[tilespmem:$0x10200] =	vst v63  }
0x5f: {  	v3 =	vld [tilespmem:$0xA0];
	_ =	sdelay $0x4  }
0x60: {  	v54 =	vshll.u32 v3, $0x1  }
0x61: {  	v3 =	vand.u32 $0x7, v3;
	v4 =	vand.u32 $0xFFFFFFF0, v54  }
0x62: {  	v3 =	vor.u32 v3, v4  }
0x63: {  	v4 =	vperm.xlane v3, v0;
	_ =	sdelay $0x1  }
0x64: {  	v3 =	vperm.xlane v3, v2;
	v4 =	vadd.s32 v1, v4;
	_ =	sdelay $0x1  }
0x65: {  	v3 =	vadd.s32 v1, v3;
	_ =	sdelay $0x1  }
0x66: {  	s8 =	simm.s32 $0x6200  }
0x67: {  	[tilespmem:s8], [sflag:$0x2] =	stream.indirect_vreg.gather [hbm4b:s2+s3], $0x80, v4, vm0, $0xb8;
	[tilespmem:$0x10200] =	vst v63  }
0x68: {  	_ = 	snop  }
0x69: {  	[tilespmem:s9], [sflag:$0x2] =	stream.indirect_vreg.gather [hbm4b:s2+s3], $0x80, v3, vm0, $0xb8;
	[tilespmem:$0x10200] =	vst v63  }
0x6a: {  	v3 =	vld [tilespmem:$0xB0];
	_ =	sdelay $0x4  }
0x6b: {  	v55 =	vshll.u32 v3, $0x1  }
0x6c: {  	v3 =	vand.u32 $0x7, v3;
	v4 =	vand.u32 $0xFFFFFFF0, v55  }
0x6d: {  	v3 =	vor.u32 v3, v4  }
0x6e: {  	v4 =	vperm.xlane v3, v0;
	_ =	sdelay $0x1  }
0x6f: {  	v3 =	vperm.xlane v3, v2;
	v4 =	vadd.s32 v1, v4;
	_ =	sdelay $0x1  }
0x70: {  	v3 =	vadd.s32 v1, v3;
	_ =	sdelay $0x2  }
0x71: {  	[tilespmem:s10], [sflag:$0x2] =	stream.indirect_vreg.gather [hbm4b:s2+s3], $0x80, v4, vm0, $0xb8;
	[tilespmem:$0x10200] =	vst v63  }
0x72: {  	_ = 	snop  }
0x73: {  	[tilespmem:s11], [sflag:$0x2] =	stream.indirect_vreg.gather [hbm4b:s2+s3], $0x80, v3, vm0, $0xb8;
	[tilespmem:$0x10200] =	vst v63  }
0x74: {  	v3 =	vld [tilespmem:$0x100];
	_ =	sdelay $0x4  }
0x75: {  	v56 =	vshll.u32 v3, $0x1  }
0x76: {  	v3 =	vand.u32 $0x7, v3;
	v4 =	vand.u32 $0xFFFFFFF0, v56  }
0x77: {  	v3 =	vor.u32 v3, v4  }
0x78: {  	v4 =	vperm.xlane v3, v0;
	_ =	sdelay $0x1  }
0x79: {  	v3 =	vperm.xlane v3, v2;
	v4 =	vadd.s32 v1, v4;
	_ =	sdelay $0x1  }
0x7a: {  	v3 =	vadd.s32 v1, v3;
	_ =	sdelay $0x2  }
0x7b: {  	[tilespmem:s12], [sflag:$0x3] =	stream.indirect_vreg.gather [hbm4b:s2+s3], $0x80, v4, vm0, $0xb8;
	[tilespmem:$0x10200] =	vst v63  }
0x7c: {  	_ = 	snop  }
0x7d: {  	[tilespmem:s13], [sflag:$0x3] =	stream.indirect_vreg.gather [hbm4b:s2+s3], $0x80, v3, vm0, $0xb8;
	[tilespmem:$0x10200] =	vst v63  }
0x7e: {  	v3 =	vld [tilespmem:$0x110];
	_ =	sdelay $0x4  }
0x7f: {  	v57 =	vshll.u32 v3, $0x1  }
0x80: {  	v3 =	vand.u32 $0x7, v3;
	v4 =	vand.u32 $0xFFFFFFF0, v57  }
0x81: {  	v3 =	vor.u32 v3, v4  }
0x82: {  	v4 =	vperm.xlane v3, v0;
	_ =	sdelay $0x1  }
0x83: {  	v3 =	vperm.xlane v3, v2;
	v4 =	vadd.s32 v1, v4;
	_ =	sdelay $0x1  }
0x84: {  	v3 =	vadd.s32 v1, v3;
	_ =	sdelay $0x2  }
0x85: {  	[tilespmem:s14], [sflag:$0x3] =	stream.indirect_vreg.gather [hbm4b:s2+s3], $0x80, v4, vm0, $0xb8;
	[tilespmem:$0x10200] =	vst v63  }
0x86: {  	_ = 	snop  }
0x87: {  	[tilespmem:s15], [sflag:$0x3] =	stream.indirect_vreg.gather [hbm4b:s2+s3], $0x80, v3, vm0, $0xb8;
	[tilespmem:$0x10200] =	vst v63  }
0x88: {  	v3 =	vld [tilespmem:$0x120];
	_ =	sdelay $0x4  }
0x89: {  	v58 =	vshll.u32 v3, $0x1  }
0x8a: {  	v3 =	vand.u32 $0x7, v3;
	v4 =	vand.u32 $0xFFFFFFF0, v58  }
0x8b: {  	v3 =	vor.u32 v3, v4  }
0x8c: {  	v4 =	vperm.xlane v3, v0;
	_ =	sdelay $0x1  }
0x8d: {  	v3 =	vperm.xlane v3, v2;
	v4 =	vadd.s32 v1, v4;
	_ =	sdelay $0x1  }
0x8e: {  	v3 =	vadd.s32 v1, v3;
	_ =	sdelay $0x2  }
0x8f: {  	[tilespmem:s16], [sflag:$0x3] =	stream.indirect_vreg.gather [hbm4b:s2+s3], $0x80, v4, vm0, $0xb8;
	[tilespmem:$0x10200] =	vst v63  }
0x90: {  	_ = 	snop  }
0x91: {  	[tilespmem:s17], [sflag:$0x3] =	stream.indirect_vreg.gather [hbm4b:s2+s3], $0x80, v3, vm0, $0xb8;
	[tilespmem:$0x10200] =	vst v63  }
0x92: {  	v3 =	vld [tilespmem:$0x130];
	_ =	sdelay $0x4  }
0x93: {  	v59 =	vshll.u32 v3, $0x1  }
0x94: {  	v3 =	vand.u32 $0x7, v3;
	v4 =	vand.u32 $0xFFFFFFF0, v59  }
0x95: {  	v3 =	vor.u32 v3, v4  }
0x96: {  	v4 =	vperm.xlane v3, v0;
	_ =	sdelay $0x1  }
0x97: {  	v3 =	vperm.xlane v3, v2;
	v4 =	vadd.s32 v1, v4;
	_ =	sdelay $0x1  }
0x98: {  	v3 =	vadd.s32 v1, v3;
	_ =	sdelay $0x2  }
0x99: {  	[tilespmem:s18], [sflag:$0x3] =	stream.indirect_vreg.gather [hbm4b:s2+s3], $0x80, v4, vm0, $0xb8;
	[tilespmem:$0x10200] =	vst v63  }
0x9a: {  	_ = 	snop  }
0x9b: {  	[tilespmem:s19], [sflag:$0x3] =	stream.indirect_vreg.gather [hbm4b:s2+s3], $0x80, v3, vm0, $0xb8;
	[tilespmem:$0x10200] =	vst v63  }
0x9c: {  	v3 =	vld [tilespmem:$0x180];
	_ =	sdelay $0x4  }
0x9d: {  	v60 =	vshll.u32 v3, $0x1  }
0x9e: {  	v3 =	vand.u32 $0x7, v3;
	v4 =	vand.u32 $0xFFFFFFF0, v60  }
0x9f: {  	v3 =	vor.u32 v3, v4  }
0xa0: {  	v4 =	vperm.xlane v3, v0;
	_ =	sdelay $0x1  }
0xa1: {  	v3 =	vperm.xlane v3, v2;
	v4 =	vadd.s32 v1, v4;
	_ =	sdelay $0x1  }
0xa2: {  	v3 =	vadd.s32 v1, v3;
	_ =	sdelay $0x2  }
0xa3: {  	[tilespmem:s20], [sflag:$0x4] =	stream.indirect_vreg.gather [hbm4b:s2+s3], $0x80, v4, vm0, $0xb8;
	[tilespmem:$0x10200] =	vst v63  }
0xa4: {  	_ = 	snop  }
0xa5: {  	[tilespmem:s21], [sflag:$0x4] =	stream.indirect_vreg.gather [hbm4b:s2+s3], $0x80, v3, vm0, $0xb8;
	[tilespmem:$0x10200] =	vst v63  }
0xa6: {  	v3 =	vld [tilespmem:$0x190];
	_ =	sdelay $0x4  }
0xa7: {  	v61 =	vshll.u32 v3, $0x1  }
0xa8: {  	v3 =	vand.u32 $0x7, v3;
	v4 =	vand.u32 $0xFFFFFFF0, v61  }
0xa9: {  	v3 =	vor.u32 v3, v4  }
0xaa: {  	v4 =	vperm.xlane v3, v0;
	_ =	sdelay $0x1  }
0xab: {  	v3 =	vperm.xlane v3, v2;
	v4 =	vadd.s32 v1, v4;
	_ =	sdelay $0x1  }
0xac: {  	v3 =	vadd.s32 v1, v3;
	_ =	sdelay $0x2  }
0xad: {  	[tilespmem:s22], [sflag:$0x4] =	stream.indirect_vreg.gather [hbm4b:s2+s3], $0x80, v4, vm0, $0xb8;
	[tilespmem:$0x10200] =	vst v63  }
0xae: {  	_ = 	snop  }
0xaf: {  	[tilespmem:s23], [sflag:$0x4] =	stream.indirect_vreg.gather [hbm4b:s2+s3], $0x80, v3, vm0, $0xb8;
	[tilespmem:$0x10200] =	vst v63  }
0xb0: {  	v3 =	vld [tilespmem:$0x1A0];
	_ =	sdelay $0x4  }
0xb1: {  	v62 =	vshll.u32 v3, $0x1  }
0xb2: {  	v3 =	vand.u32 $0x7, v3;
	v4 =	vand.u32 $0xFFFFFFF0, v62  }
0xb3: {  	v3 =	vor.u32 v3, v4  }
0xb4: {  	v4 =	vperm.xlane v3, v0;
	_ =	sdelay $0x1  }
0xb5: {  	v3 =	vperm.xlane v3, v2;
	v4 =	vadd.s32 v1, v4;
	_ =	sdelay $0x1  }
0xb6: {  	v3 =	vadd.s32 v1, v3;
	_ =	sdelay $0x2  }
0xb7: {  	[tilespmem:s24], [sflag:$0x4] =	stream.indirect_vreg.gather [hbm4b:s2+s3], $0x80, v4, vm0, $0xb8;
	[tilespmem:$0x10200] =	vst v63  }
0xb8: {  	_ = 	snop  }
0xb9: {  	[tilespmem:s25], [sflag:$0x4] =	stream.indirect_vreg.gather [hbm4b:s2+s3], $0x80, v3, vm0, $0xb8;
	[tilespmem:$0x10200] =	vst v63  }
0xba: {  	v3 =	vld [tilespmem:$0x1B0];
	_ =	sdelay $0x4  }
0xbb: {  	v63 =	vshll.u32 v3, $0x1  }
0xbc: {  	v3 =	vand.u32 $0x7, v3;
	v4 =	vand.u32 $0xFFFFFFF0, v63  }
0xbd: {  	v3 =	vor.u32 v3, v4  }
0xbe: {  	v4 =	vperm.xlane v3, v0;
	_ =	sdelay $0x1  }
0xbf: {  	v3 =	vperm.xlane v3, v2;
	v4 =	vadd.s32 v1, v4;
	_ =	sdelay $0x1  }
0xc0: {  	v3 =	vadd.s32 v1, v3;
	_ =	sdelay $0x2  }
0xc1: {  	[tilespmem:s26], [sflag:$0x4] =	stream.indirect_vreg.gather [hbm4b:s2+s3], $0x80, v4, vm0, $0xb8;
	[tilespmem:$0x10200] =	vst v63  }
0xc2: {  	_ = 	snop  }
0xc3: {  	[tilespmem:s28], [sflag:$0x4] =	stream.indirect_vreg.gather [hbm4b:s2+s3], $0x80, v3, vm0, $0xb8;
	[tilespmem:$0x10200] =	vst v63  }
0xc4: {  	_ =	swait.ge [sflag:s29], $0x4000  }
0xc5: {  	[sflag:s29] =	ssyncset.done $0x0  }
0xc6: {  	s8 =	rddreg [dreg:$0x4];
	[sflag:s29] =	ssyncadd.s32 $0xFFFFC000  }
0xc7: {  	[hbm4b:s8+s3] =	stream.linear.scatter [tilespmem:s6], [sflag:$0x5], $0x4000, $0x38;
	[tilespmem:$0x10200] =	vst v63  }
0xc8: {  	_ =	swait.ge [sflag:s5], $0x4000  }
0xc9: {  	[sflag:s5] =	ssyncset.done $0x0  }
0xca: {  	[sflag:s5] =	ssyncadd.s32 $0xFFFFC000  }
0xcb: {  	_ =	swait.ge [sflag:s30], $0x4000  }
0xcc: {  	[sflag:s30] =	ssyncset.done $0x0  }
0xcd: {  	s8 =	rddreg [dreg:$0x5];
	[sflag:s30] =	ssyncadd.s32 $0xFFFFC000  }
0xce: {  	[hbm4b:s8+s3] =	stream.linear.scatter [tilespmem:s7], [sflag:$0x5], $0x4000, $0x38;
	[tilespmem:$0x10200] =	vst v63  }
0xcf: {  	_ =	swait.ge [sflag:s5], $0x4000  }
0xd0: {  	[sflag:s5] =	ssyncset.done $0x0  }
0xd1: {  	[sflag:s5] =	ssyncadd.s32 $0xFFFFC000  }
0xd2: {  	_ =	swait.ge [sflag:s31], $0x4000  }
0xd3: {  	[sflag:s31] =	ssyncset.done $0x0  }
0xd4: {  	s8 =	rddreg [dreg:$0x6];
	[sflag:s31] =	ssyncadd.s32 $0xFFFFC000  }
0xd5: {  	[hbm4b:s8+s3] =	stream.linear.scatter [tilespmem:s12], [sflag:$0x5], $0x4000, $0x38;
	[tilespmem:$0x10200] =	vst v63  }
0xd6: {  	_ =	swait.ge [sflag:s5], $0x4000  }
0xd7: {  	[sflag:s5] =	ssyncset.done $0x0  }
0xd8: {  	[sflag:s5] =	ssyncadd.s32 $0xFFFFC000  }
0xd9: {  	_ =	swait.ge [sflag:s1], $0x4000  }
0xda: {  	p0 =	sne.s32 s4, $0x1;
	[sflag:s1] =	ssyncset.done $0x0  }
.Ltmp0:
0xdb: {  	s8 =	rddreg [dreg:$0x7];
	[sflag:s1] =	ssyncadd.s32 $0xFFFFC000;
	(pc) =	sbr.rel @p0 .LBB2_1-.Ltmp0, $4  }
0xdc: {  	[hbm4b:s8+s3] =	stream.linear.scatter [tilespmem:s20], [sflag:$0x5], $0x4000, $0x38;
	[tilespmem:$0x10200] =	vst v63  }
0xdd: {  	_ =	swait.ge [sflag:s5], $0x4000  }
0xde: {  	[sflag:s5] =	ssyncset.done $0x0  }
0xdf: {  	s4 =	sadd.s32 $0xFFFFFFFF, s4;
	[sflag:s5] =	ssyncadd.s32 $0xFFFFC000  }
0xe0: {  	_ =	sfence.sel $0x180000  }
0xe1: {  	[bflag:$0x0] =	sbarrier.arrive $0xFFFF  }
0xe2: {  	_ =	strace $0x90000047  }
0xe3: {  	s0 =	stileid.u32;
	[bflag:$0x2] =	sbarrier.arrive $0xFFFF  }
0xe4: {  	p0 =	sne.s32 s0, $0x0;
	s0 =	rddreg [dreg:$0x2]  }
0xe5: {  	s0 =	sadd.s32 @!p0 $0x100000, s0  }
0xe6: {  	[sflag:s0] =	ssyncadd.tile.s32 @!p0 $0x1;
	_ =	shalt  }
.Lfunc_end2:
_tile_overlayer_lowered:
.L_overlay_start_2:
0xe7: {  	(tag) =	ssettag $0x2  }
0xe8: {  	s0 =	rddreg [dreg:$0x0];
	s2 =	stileid.u32  }
0xe9: {  	s1 =	rddreg [dreg:$0x1];
	p0 =	sne.s32 s2, $0x0  }
0xea: {  	s3 =	rddreg [dreg:$0x2];
	[bflag:$0x3] =	sbarrier.arrive $0xFFFF;
	s2 =	simm.s32 @!p0 $0x1C05  }
0xeb: {  	[timem:s3], [sflag:s2] =	dma.local @!p0 [hbm:s0], s1  }
0xec: {  	s0 =	simm.s32 @!p0 $0x5  }
0xed: {  	_ =	swait.ge @!p0 [sflag:s0], s1  }
0xee: {  	s1 =	ssub.s32 @!p0 $0x0, s1;
	[sflag:s0] =	ssyncset.done @!p0 $0x0  }
0xef: {  	[sflag:s0] =	ssyncadd.s32 @!p0 s1  }
0xf0: {  	[bflag:$0x3] =	sbarrier.arrive $0xFFFF  }
0xf1: {  	_ =	shalt  }

</sc_bundles>
